<compile_context>
chip_gen: v7x
topology: tpu7x:2x2x1
jax: 0.10.2.dev20260603
libtpu: 0.0.44.dev20260713+nightly
codegen_flags: <defaults>
</compile_context>

<pallas_src>
import functools

import jax
import jax.numpy as jnp
from jax import lax
from jax.experimental import pallas as pl
from jax.experimental.pallas import tpu as pltpu
from jax.experimental.pallas import tpu_sc as plsc

_N_TOKENS = 16384
_NUM_EMB = 8192
_DIM = 32
_TB = 2048


_LANES = 128
_TCHUNK = _NUM_EMB * _TB // _N_TOKENS
_PANEL = 1024


def _argmin_body(x_ref, e_ref, tbl_ref, idx_ref, em2_ref):
    @pl.when(pl.program_id(0) == 0)
    def _init():
        e = e_ref[...]
        em2_ref[0:_DIM] = e * -2.0
        e2 = jnp.sum(e * e, axis=0, keepdims=True)
        hi = e2.astype(jnp.bfloat16).astype(jnp.float32)
        r = e2 - hi
        mid = r.astype(jnp.bfloat16).astype(jnp.float32)
        lo = r - mid
        em2_ref[_DIM:_DIM + 1] = hi
        em2_ref[_DIM + 1:_DIM + 2] = mid
        em2_ref[_DIM + 2:_DIM + 3] = lo
        em2_ref[_DIM + 3:] = jnp.zeros((5, _NUM_EMB), jnp.float32)

    i = pl.program_id(0)
    tbl_ref[...] = e_ref[pl.ds(0, _DIM), pl.ds(i * _TCHUNK, _TCHUNK)].T

    ones3 = jnp.where(
        lax.broadcasted_iota(jnp.int32, (_TB, 8), 1) < 3,
        jnp.float32(1.0), jnp.float32(0.0),
    )
    xa = jnp.concatenate([x_ref[...], ones3], axis=1)

    run_min = None
    run_cid = jnp.zeros((_TB, _LANES), jnp.float32)
    for p in range(_NUM_EMB // _PANEL):
        dp = jnp.dot(
            xa, em2_ref[:, p * _PANEL:(p + 1) * _PANEL],
            preferred_element_type=jnp.float32,
        )
        for c in range(_PANEL // _LANES):
            dc = dp[:, c * _LANES:(c + 1) * _LANES]
            g = p * _PANEL + c * _LANES
            if run_min is None:
                run_min = dc
                continue
            pred = dc < run_min
            run_min = jnp.where(pred, dc, run_min)
            run_cid = jnp.where(pred, jnp.float32(g), run_cid)

    m = jnp.min(run_min, axis=1, keepdims=True)
    lane = lax.broadcasted_iota(
        jnp.int32, (_TB, _LANES), 1
    ).astype(jnp.float32)
    cand = jnp.where(
        run_min == m, run_cid + lane, jnp.float32(_NUM_EMB)
    )
    idxf = jnp.min(cand, axis=1)
    idx_ref[0] = idxf.astype(jnp.int32).reshape(_TB // _LANES, _LANES)


def _tc_argmin(x, embeddings):
    nb = _N_TOKENS // _TB
    out = pl.pallas_call(
        _argmin_body,
        grid=(nb,),
        in_specs=[
            pl.BlockSpec((_TB, _DIM), lambda i: (i, 0)),
            pl.BlockSpec((_DIM, _NUM_EMB), lambda i: (0, 0)),
        ],
        out_specs=[
            pl.BlockSpec((_TCHUNK, _DIM), lambda i: (i, 0)),
            pl.BlockSpec((1, _TB // _LANES, _LANES), lambda i: (i, 0, 0)),
        ],
        out_shape=[
            jax.ShapeDtypeStruct((_NUM_EMB, _DIM), jnp.float32),
            jax.ShapeDtypeStruct((nb, _TB // _LANES, _LANES), jnp.int32),
        ],
        scratch_shapes=[
            pltpu.VMEM((_DIM + 8, _NUM_EMB), jnp.float32),
        ],
    )(x, embeddings)
    return out[0], out[1].reshape(_N_TOKENS)


def _sc_gather(table, idx):
    info = plsc.get_sparse_core_info()
    nc, ns = info.num_cores, info.num_subcores
    nw = nc * ns
    bpw = _N_TOKENS // nw
    mesh = plsc.VectorSubcoreMesh(core_axis_name="c", subcore_axis_name="s")

    @functools.partial(
        pl.kernel,
        mesh=mesh,
        compiler_params=pltpu.CompilerParams(use_tc_tiling_on_sc=False),
        out_type=jax.ShapeDtypeStruct((_N_TOKENS, _DIM), jnp.float32),
        scratch_types=[
            pltpu.VMEM((bpw,), jnp.int32),
            pltpu.VMEM((bpw, _DIM), jnp.float32),
            pltpu.SemaphoreType.DMA,
        ],
    )
    def gather_kernel(table_hbm, idx_hbm, out_hbm, idx_v, rows_v, sem):
        wid = lax.axis_index("s") * nc + lax.axis_index("c")
        base = wid * bpw
        pltpu.sync_copy(idx_hbm.at[pl.ds(base, bpw)], idx_v)
        pltpu.async_copy(table_hbm.at[idx_v], rows_v, sem).wait()
        pltpu.sync_copy(rows_v, out_hbm.at[pl.ds(base, bpw)])

    return gather_kernel(table, idx)


def kernel(x, embeddings):
    table, idx = _tc_argmin(x, embeddings)
    return _sc_gather(table, idx)

# --- scband reference (transcript-rebuilt; emitter-appended) ---
"""Pipeline reference for scband-vector-quantizer-48266842472527 (READ-ONLY COPY).

The authoritative reference and input builder live on the scoring server;
editing this copy changes nothing except your own understanding.
"""

import jax, jax.numpy as jnp
import numpy as np

NUM_EMBEDDINGS = 8192
EMBEDDING_DIM = 32
N_TOKENS = 16384


def setup_inputs(seed: int = 0) -> dict:
    key = jax.random.key(seed)
    kx, ke = jax.random.split(key)
    x = jax.random.normal(kx, (N_TOKENS, EMBEDDING_DIM), dtype=jnp.float32)
    # tf.random.uniform([embedding_dim, num_embeddings], 0.0, 1.0)
    embeddings = jax.random.uniform(ke, (EMBEDDING_DIM, NUM_EMBEDDINGS), dtype=jnp.float32, minval=0.0, maxval=1.0)
    return {"x": x, "embeddings": embeddings}


def reference(x, embeddings):
    # squared L2 distances between each token and each codebook column
    distances = (
        jnp.sum(x ** 2, axis=1, keepdims=True)
        + jnp.sum(embeddings ** 2, axis=0)
        - 2.0 * jnp.matmul(x, embeddings)
    )
    encoding_indices = jnp.argmin(distances, axis=1)
    encodings = jax.nn.one_hot(encoding_indices, NUM_EMBEDDINGS, dtype=x.dtype)
    quantized = jnp.matmul(encodings, embeddings.T)
    # straight-through estimator
    quantized = x + jax.lax.stop_gradient(quantized - x)
    return quantized

if __name__ == "__main__":
    import jax
    _d = setup_inputs()
    print(jax.jit(kernel)(*tuple(_d.values())))

</pallas_src>

<mosaic_0001>
#map = affine_map<(d0, d1) -> (0, 0)>
#map1 = affine_map<(d0, d1) -> (0)>
module attributes {stable_mosaic.version = 14 : i64} {
  func.func @gather_kernel(%arg0: i32, %arg1: i32, %arg2: memref<8192x32xf32, #tpu.memory_space<hbm>>, %arg3: memref<16384xi32, #tpu.memory_space<hbm>>, %arg4: memref<16384x32xf32, #tpu.memory_space<hbm>>, %arg5: memref<512xi32, #tpu.memory_space<vmem>>, %arg6: memref<512x32xf32, #tpu.memory_space<vmem>>, %arg7: memref<!tpu.dma_semaphore, #tpu.memory_space<semaphore_mem>>) attributes {dimension_semantics = [#tpu.dimension_semantics<core_parallel>, #tpu.dimension_semantics<subcore_parallel>], iteration_bounds = array<i64: 2, 16>, scalar_prefetch = 0 : i64, scratch_operands = 3 : i64, tpu.core_type = #tpu.core_type<sc_vector_subcore>, window_params = [{transform_indices = #map}, {transform_indices = #map1}, {transform_indices = #map}]} {
    %mul3A = arith.constant 2 : i32
    %mul3A_0 = arith.muli %arg1, %mul3A : i32
    %add3A = arith.addi %mul3A_0, %arg0 : i32
    %mul3A_1 = arith.constant 512 : i32
    %mul3A_2 = arith.muli %add3A, %mul3A_1 : i32
    "tpu.region"() ({
      %run_scoped3A = tpu.sem_alloc : memref<!tpu.dma_semaphore, #tpu.memory_space<semaphore_mem>>
      %dma_start3A_7 = tpu.memref_slice %arg3[%mul3A_2] : memref<16384xi32, #tpu.memory_space<hbm>> -> memref<512xi32, #tpu.memory_space<hbm>>
      %dma_start3A_8 = tpu.memref_slice %arg3[%mul3A_2] : memref<16384xi32, #tpu.memory_space<hbm>> -> memref<512xi32, #tpu.memory_space<hbm>>
      tpu.enqueue_dma source(%dma_start3A_8 : memref<512xi32, #tpu.memory_space<hbm>>) target(%arg5 : memref<512xi32, #tpu.memory_space<vmem>>) target_semaphore(%run_scoped3A : memref<!tpu.dma_semaphore, #tpu.memory_space<semaphore_mem>>)
      %dma_wait3A_9 = tpu.memref_slice %arg3[%mul3A_2] : memref<16384xi32, #tpu.memory_space<hbm>> -> memref<512xi32, #tpu.memory_space<hbm>>
      %dma_wait3A_10 = tpu.memref_slice %arg3[%mul3A_2] : memref<16384xi32, #tpu.memory_space<hbm>> -> memref<512xi32, #tpu.memory_space<hbm>>
      tpu.wait_dma2 semaphore(%run_scoped3A : memref<!tpu.dma_semaphore, #tpu.memory_space<semaphore_mem>>) src(%dma_wait3A_10 : memref<512xi32, #tpu.memory_space<hbm>>) dst(%arg5 : memref<512xi32, #tpu.memory_space<vmem>>)
      tpu.yield
    }) : () -> ()
    %dma_start3A = arith.constant 0 : i32
    %dma_start3A_3 = arith.constant 0 : i32
    %dma_start3A_4 = tpu.memref_slice %arg2[%dma_start3A, %dma_start3A_3] : memref<8192x32xf32, #tpu.memory_space<hbm>> -> memref<8192x32xf32, #tpu.memory_space<hbm>>
    tpu.enqueue_indirect_dma source(%dma_start3A_4 : memref<8192x32xf32, #tpu.memory_space<hbm>>) target(%arg6 : memref<512x32xf32, #tpu.memory_space<vmem>>) offsets(%arg5 : memref<512xi32, #tpu.memory_space<vmem>>) semaphore(%arg7 : memref<!tpu.dma_semaphore, #tpu.memory_space<semaphore_mem>>)
    %dma_wait3A = arith.constant 0 : i32
    %dma_wait3A_5 = arith.constant 0 : i32
    %dma_wait3A_6 = tpu.memref_slice %arg2[%dma_wait3A, %dma_wait3A_5] : memref<8192x32xf32, #tpu.memory_space<hbm>> -> memref<8192x32xf32, #tpu.memory_space<hbm>>
    tpu.wait_indirect_dma semaphore(%arg7 : memref<!tpu.dma_semaphore, #tpu.memory_space<semaphore_mem>>) src(%dma_wait3A_6 : memref<8192x32xf32, #tpu.memory_space<hbm>>) dst(%arg6 : memref<512x32xf32, #tpu.memory_space<vmem>>)
    "tpu.region"() ({
      %run_scoped3A = tpu.sem_alloc : memref<!tpu.dma_semaphore, #tpu.memory_space<semaphore_mem>>
      %dma_start3A_7 = arith.constant 0 : i32
      %dma_start3A_8 = tpu.memref_slice %arg4[%mul3A_2, %dma_start3A_7] : memref<16384x32xf32, #tpu.memory_space<hbm>> -> memref<512x32xf32, #tpu.memory_space<hbm>>
      %dma_start3A_9 = arith.constant 0 : i32
      %dma_start3A_10 = tpu.memref_slice %arg4[%mul3A_2, %dma_start3A_9] : memref<16384x32xf32, #tpu.memory_space<hbm>> -> memref<512x32xf32, #tpu.memory_space<hbm>>
      tpu.enqueue_dma source(%arg6 : memref<512x32xf32, #tpu.memory_space<vmem>>) target(%dma_start3A_10 : memref<512x32xf32, #tpu.memory_space<hbm>>) target_semaphore(%run_scoped3A : memref<!tpu.dma_semaphore, #tpu.memory_space<semaphore_mem>>)
      %dma_wait3A_11 = arith.constant 0 : i32
      %dma_wait3A_12 = tpu.memref_slice %arg4[%mul3A_2, %dma_wait3A_11] : memref<16384x32xf32, #tpu.memory_space<hbm>> -> memref<512x32xf32, #tpu.memory_space<hbm>>
      %dma_wait3A_13 = arith.constant 0 : i32
      %dma_wait3A_14 = tpu.memref_slice %arg4[%mul3A_2, %dma_wait3A_13] : memref<16384x32xf32, #tpu.memory_space<hbm>> -> memref<512x32xf32, #tpu.memory_space<hbm>>
      tpu.wait_dma2 semaphore(%run_scoped3A : memref<!tpu.dma_semaphore, #tpu.memory_space<semaphore_mem>>) src(%arg6 : memref<512x32xf32, #tpu.memory_space<vmem>>) dst(%dma_wait3A_14 : memref<512x32xf32, #tpu.memory_space<hbm>>)
      tpu.yield
    }) : () -> ()
    return
  }
}

module attributes {stable_mosaic.version = 14 : i64} {
  func.func @_argmin_body(%arg0: i32, %arg1: memref<2048x32xf32, #tpu.memory_space<vmem>>, %arg2: memref<32x8192xf32, #tpu.memory_space<vmem>>, %arg3: memref<1024x32xf32, #tpu.memory_space<vmem>>, %arg4: memref<1x16x128xi32, #tpu.memory_space<vmem>>, %arg5: memref<40x8192xf32, #tpu.memory_space<vmem>>) attributes {dimension_semantics = [#tpu.dimension_semantics<arbitrary>], iteration_bounds = array<i64: 8>, scalar_prefetch = 0 : i64, scratch_operands = 1 : i64, tpu.core_type = #tpu.core_type<tc>, window_params = [{transform_indices = @transform_0, window_bounds = array<i64: 2048, 32>}, {pipeline_mode = #tpu.pipeline_mode<synchronous>, transform_indices = @transform_1, window_bounds = array<i64: 32, 8192>}, {transform_indices = @transform_2, window_bounds = array<i64: 1024, 32>}, {transform_indices = @transform_3, window_bounds = array<i64: 1, 16, 128>}]} {
    %eq3A = arith.constant 0 : i32
    %eq3A_0 = arith.cmpi eq, %arg0, %eq3A : i32
    %convert_element_type3A = arith.extui %eq3A_0 : i1 to i32
    %cond3A = arith.constant 0 : i32
    %cond3A_1 = arith.cmpi ne, %convert_element_type3A, %cond3A : i32
    scf.if %cond3A_1 {
      %get3A_451 = arith.constant 0 : index
      %get3A_452 = arith.constant 0 : index
      %get3A_453 = vector.load %arg2[%get3A_451, %get3A_452] : memref<32x8192xf32, #tpu.memory_space<vmem>>, vector<32x8192xf32>
      %mul3A_454 = arith.constant -2.000000e+00 : f32
      %mul3A_455 = vector.broadcast %mul3A_454 : f32 to vector<32x8192xf32>
      %mul3A_456 = arith.mulf %get3A_453, %mul3A_455 : vector<32x8192xf32>
      %swap3A_457 = arith.constant 0 : index
      %swap3A_458 = arith.constant 0 : index
      %swap3A_459 = vector.load %arg5[%swap3A_457, %swap3A_458] : memref<40x8192xf32, #tpu.memory_space<vmem>>, vector<32x8192xf32>
      tpu.vector_store %arg5[%swap3A_457, %swap3A_458], %mul3A_456 {strides = array<i32>} : memref<40x8192xf32, #tpu.memory_space<vmem>>, vector<32x8192xf32>,
      %mul3A_460 = arith.mulf %get3A_453, %get3A_453 : vector<32x8192xf32>
      %reduce_sum3A = arith.constant dense<0.000000e+00> : vector<8192xf32>
      %reduce_sum3A_461 = vector.multi_reduction <add>, %mul3A_460, %reduce_sum3A [0] : vector<32x8192xf32> to vector<8192xf32>
      %broadcast_in_dim3A_462 = vector.shape_cast %reduce_sum3A_461 : vector<8192xf32> to vector<1x8192xf32>
      %convert_element_type3A_463 = arith.truncf %broadcast_in_dim3A_462 : vector<1x8192xf32> to vector<1x8192xbf16>
      %convert_element_type3A_464 = arith.extf %convert_element_type3A_463 : vector<1x8192xbf16> to vector<1x8192xf32>
      %sub3A = arith.subf %broadcast_in_dim3A_462, %convert_element_type3A_464 : vector<1x8192xf32>
      %convert_element_type3A_465 = arith.truncf %sub3A : vector<1x8192xf32> to vector<1x8192xbf16>
      %convert_element_type3A_466 = arith.extf %convert_element_type3A_465 : vector<1x8192xbf16> to vector<1x8192xf32>
      %sub3A_467 = arith.subf %sub3A, %convert_element_type3A_466 : vector<1x8192xf32>
      %swap3A_468 = arith.constant 32 : index
      %swap3A_469 = arith.constant 0 : index
      %swap3A_470 = vector.load %arg5[%swap3A_468, %swap3A_469] : memref<40x8192xf32, #tpu.memory_space<vmem>>, vector<1x8192xf32>
      tpu.vector_store %arg5[%swap3A_468, %swap3A_469], %convert_element_type3A_464 {strides = array<i32>} : memref<40x8192xf32, #tpu.memory_space<vmem>>, vector<1x8192xf32>,
      %swap3A_471 = arith.constant 33 : index
      %swap3A_472 = arith.constant 0 : index
      %swap3A_473 = vector.load %arg5[%swap3A_471, %swap3A_472] : memref<40x8192xf32, #tpu.memory_space<vmem>>, vector<1x8192xf32>
      tpu.vector_store %arg5[%swap3A_471, %swap3A_472], %convert_element_type3A_466 {strides = array<i32>} : memref<40x8192xf32, #tpu.memory_space<vmem>>, vector<1x8192xf32>,
      %swap3A_474 = arith.constant 34 : index
      %swap3A_475 = arith.constant 0 : index
      %swap3A_476 = vector.load %arg5[%swap3A_474, %swap3A_475] : memref<40x8192xf32, #tpu.memory_space<vmem>>, vector<1x8192xf32>
      tpu.vector_store %arg5[%swap3A_474, %swap3A_475], %sub3A_467 {strides = array<i32>} : memref<40x8192xf32, #tpu.memory_space<vmem>>, vector<1x8192xf32>,
      %broadcast_in_dim3A_477 = arith.constant 0.000000e+00 : f32
      %broadcast_in_dim3A_478 = vector.broadcast %broadcast_in_dim3A_477 : f32 to vector<5x8192xf32>
      %swap3A_479 = arith.constant 35 : index
      %swap3A_480 = arith.constant 0 : index
      %swap3A_481 = vector.load %arg5[%swap3A_479, %swap3A_480] : memref<40x8192xf32, #tpu.memory_space<vmem>>, vector<5x8192xf32>
      tpu.vector_store %arg5[%swap3A_479, %swap3A_480], %broadcast_in_dim3A_478 {strides = array<i32>} : memref<40x8192xf32, #tpu.memory_space<vmem>>, vector<5x8192xf32>,
    } else {
    }
    %mul3A = arith.constant 1024 : i32
    %mul3A_2 = arith.muli %arg0, %mul3A : i32
    %get3A = arith.constant 0 : index
    %get3A_3 = arith.index_cast %mul3A_2 : i32 to index
    %get3A_4 = vector.load %arg2[%get3A, %get3A_3] : memref<32x8192xf32, #tpu.memory_space<vmem>>, vector<32x1024xf32>
    %transpose3A = tpu.transpose %get3A_4, [1, 0] : vector<32x1024xf32> -> vector<1024x32xf32>
    %swap3A = arith.constant 0 : index
    %swap3A_5 = arith.constant 0 : index
    %swap3A_6 = vector.load %arg3[%swap3A, %swap3A_5] : memref<1024x32xf32, #tpu.memory_space<vmem>>, vector<1024x32xf32>
    tpu.vector_store %arg3[%swap3A, %swap3A_5], %transpose3A {strides = array<i32>} : memref<1024x32xf32, #tpu.memory_space<vmem>>, vector<1024x32xf32>,
    %iota3A = tpu.iota {dimensions = array<i32: 1>} : vector<2048x8xi32>
    %lt3A = arith.constant 3 : i32
    %lt3A_7 = vector.broadcast %lt3A : i32 to vector<2048x8xi32>
    %lt3A_8 = arith.cmpi slt, %iota3A, %lt3A_7 : vector<2048x8xi32>
    %jit3A = arith.constant 1.000000e+00 : f32
    %jit3A_9 = arith.constant 0.000000e+00 : f32
    %broadcast_in_dim3A = vector.broadcast %jit3A : f32 to vector<2048x8xf32>
    %broadcast_in_dim3A_10 = vector.broadcast %jit3A_9 : f32 to vector<2048x8xf32>
    %select_n3A = arith.select %lt3A_8, %broadcast_in_dim3A, %broadcast_in_dim3A_10 : vector<2048x8xi1>, vector<2048x8xf32>
    %get3A_11 = arith.constant 0 : index
    %get3A_12 = arith.constant 0 : index
    %get3A_13 = vector.load %arg1[%get3A_11, %get3A_12] : memref<2048x32xf32, #tpu.memory_space<vmem>>, vector<2048x32xf32>
    %concatenate3A = tpu.concatenate %get3A_13, %select_n3A in 1 : vector<2048x32xf32>, vector<2048x8xf32> -> vector<2048x40xf32>
    %broadcast_in_dim3A_14 = arith.constant 0.000000e+00 : f32
    %broadcast_in_dim3A_15 = vector.broadcast %broadcast_in_dim3A_14 : f32 to vector<2048x128xf32>
    %get3A_16 = arith.constant 0 : index
    %get3A_17 = arith.constant 0 : index
    %get3A_18 = vector.load %arg5[%get3A_16, %get3A_17] : memref<40x8192xf32, #tpu.memory_space<vmem>>, vector<40x1024xf32>
    %dot_general3A = arith.constant dense<0.000000e+00> : vector<2048x1024xf32>
    %dot_general3A_19 = tpu.matmul %concatenate3A, %get3A_18, %dot_general3A {dimension_numbers = #tpu.dot_dimension_numbers<[1], [0], [0], [1], [0, 0, 1, 1], [], []>, transpose_lhs_hint = false} : vector<2048x40xf32>, vector<40x1024xf32>, vector<2048x1024xf32> -> vector<2048x1024xf32>
    %slice3A = vector.extract_strided_slice %dot_general3A_19 {offsets = [0, 0], sizes = [2048, 128], strides = [1, 1]} : vector<2048x1024xf32> to vector<2048x128xf32>
    %slice3A_20 = vector.extract_strided_slice %dot_general3A_19 {offsets = [0, 128], sizes = [2048, 128], strides = [1, 1]} : vector<2048x1024xf32> to vector<2048x128xf32>
    %lt3A_21 = arith.cmpf olt, %slice3A_20, %slice3A : vector<2048x128xf32>
    %select_n3A_22 = arith.select %lt3A_21, %slice3A_20, %slice3A : vector<2048x128xi1>, vector<2048x128xf32>
    %jit3A_23 = arith.constant 1.280000e+02 : f32
    %broadcast_in_dim3A_24 = vector.broadcast %jit3A_23 : f32 to vector<2048x128xf32>
    %select_n3A_25 = arith.select %lt3A_21, %broadcast_in_dim3A_24, %broadcast_in_dim3A_15 : vector<2048x128xi1>, vector<2048x128xf32>
    %slice3A_26 = vector.extract_strided_slice %dot_general3A_19 {offsets = [0, 256], sizes = [2048, 128], strides = [1, 1]} : vector<2048x1024xf32> to vector<2048x128xf32>
    %lt3A_27 = arith.cmpf olt, %slice3A_26, %select_n3A_22 : vector<2048x128xf32>
    %select_n3A_28 = arith.select %lt3A_27, %slice3A_26, %select_n3A_22 : vector<2048x128xi1>, vector<2048x128xf32>
    %jit3A_29 = arith.constant 2.560000e+02 : f32
    %broadcast_in_dim3A_30 = vector.broadcast %jit3A_29 : f32 to vector<2048x128xf32>
    %select_n3A_31 = arith.select %lt3A_27, %broadcast_in_dim3A_30, %select_n3A_25 : vector<2048x128xi1>, vector<2048x128xf32>
    %slice3A_32 = vector.extract_strided_slice %dot_general3A_19 {offsets = [0, 384], sizes = [2048, 128], strides = [1, 1]} : vector<2048x1024xf32> to vector<2048x128xf32>
    %lt3A_33 = arith.cmpf olt, %slice3A_32, %select_n3A_28 : vector<2048x128xf32>
    %select_n3A_34 = arith.select %lt3A_33, %slice3A_32, %select_n3A_28 : vector<2048x128xi1>, vector<2048x128xf32>
    %jit3A_35 = arith.constant 3.840000e+02 : f32
    %broadcast_in_dim3A_36 = vector.broadcast %jit3A_35 : f32 to vector<2048x128xf32>
    %select_n3A_37 = arith.select %lt3A_33, %broadcast_in_dim3A_36, %select_n3A_31 : vector<2048x128xi1>, vector<2048x128xf32>
    %slice3A_38 = vector.extract_strided_slice %dot_general3A_19 {offsets = [0, 512], sizes = [2048, 128], strides = [1, 1]} : vector<2048x1024xf32> to vector<2048x128xf32>
    %lt3A_39 = arith.cmpf olt, %slice3A_38, %select_n3A_34 : vector<2048x128xf32>
    %select_n3A_40 = arith.select %lt3A_39, %slice3A_38, %select_n3A_34 : vector<2048x128xi1>, vector<2048x128xf32>
    %jit3A_41 = arith.constant 5.120000e+02 : f32
    %broadcast_in_dim3A_42 = vector.broadcast %jit3A_41 : f32 to vector<2048x128xf32>
    %select_n3A_43 = arith.select %lt3A_39, %broadcast_in_dim3A_42, %select_n3A_37 : vector<2048x128xi1>, vector<2048x128xf32>
    %slice3A_44 = vector.extract_strided_slice %dot_general3A_19 {offsets = [0, 640], sizes = [2048, 128], strides = [1, 1]} : vector<2048x1024xf32> to vector<2048x128xf32>
    %lt3A_45 = arith.cmpf olt, %slice3A_44, %select_n3A_40 : vector<2048x128xf32>
    %select_n3A_46 = arith.select %lt3A_45, %slice3A_44, %select_n3A_40 : vector<2048x128xi1>, vector<2048x128xf32>
    %jit3A_47 = arith.constant 6.400000e+02 : f32
    %broadcast_in_dim3A_48 = vector.broadcast %jit3A_47 : f32 to vector<2048x128xf32>
    %select_n3A_49 = arith.select %lt3A_45, %broadcast_in_dim3A_48, %select_n3A_43 : vector<2048x128xi1>, vector<2048x128xf32>
    %slice3A_50 = vector.extract_strided_slice %dot_general3A_19 {offsets = [0, 768], sizes = [2048, 128], strides = [1, 1]} : vector<2048x1024xf32> to vector<2048x128xf32>
    %lt3A_51 = arith.cmpf olt, %slice3A_50, %select_n3A_46 : vector<2048x128xf32>
    %select_n3A_52 = arith.select %lt3A_51, %slice3A_50, %select_n3A_46 : vector<2048x128xi1>, vector<2048x128xf32>
    %jit3A_53 = arith.constant 7.680000e+02 : f32
    %broadcast_in_dim3A_54 = vector.broadcast %jit3A_53 : f32 to vector<2048x128xf32>
    %select_n3A_55 = arith.select %lt3A_51, %broadcast_in_dim3A_54, %select_n3A_49 : vector<2048x128xi1>, vector<2048x128xf32>
    %slice3A_56 = vector.extract_strided_slice %dot_general3A_19 {offsets = [0, 896], sizes = [2048, 128], strides = [1, 1]} : vector<2048x1024xf32> to vector<2048x128xf32>
    %lt3A_57 = arith.cmpf olt, %slice3A_56, %select_n3A_52 : vector<2048x128xf32>
    %select_n3A_58 = arith.select %lt3A_57, %slice3A_56, %select_n3A_52 : vector<2048x128xi1>, vector<2048x128xf32>
    %jit3A_59 = arith.constant 8.960000e+02 : f32
    %broadcast_in_dim3A_60 = vector.broadcast %jit3A_59 : f32 to vector<2048x128xf32>
    %select_n3A_61 = arith.select %lt3A_57, %broadcast_in_dim3A_60, %select_n3A_55 : vector<2048x128xi1>, vector<2048x128xf32>
    %get3A_62 = arith.constant 0 : index
    %get3A_63 = arith.constant 1024 : index
    %get3A_64 = vector.load %arg5[%get3A_62, %get3A_63] : memref<40x8192xf32, #tpu.memory_space<vmem>>, vector<40x1024xf32>
    %dot_general3A_65 = arith.constant dense<0.000000e+00> : vector<2048x1024xf32>
    %dot_general3A_66 = tpu.matmul %concatenate3A, %get3A_64, %dot_general3A_65 {dimension_numbers = #tpu.dot_dimension_numbers<[1], [0], [0], [1], [0, 0, 1, 1], [], []>, transpose_lhs_hint = false} : vector<2048x40xf32>, vector<40x1024xf32>, vector<2048x1024xf32> -> vector<2048x1024xf32>
    %slice3A_67 = vector.extract_strided_slice %dot_general3A_66 {offsets = [0, 0], sizes = [2048, 128], strides = [1, 1]} : vector<2048x1024xf32> to vector<2048x128xf32>
    %lt3A_68 = arith.cmpf olt, %slice3A_67, %select_n3A_58 : vector<2048x128xf32>
    %select_n3A_69 = arith.select %lt3A_68, %slice3A_67, %select_n3A_58 : vector<2048x128xi1>, vector<2048x128xf32>
    %jit3A_70 = arith.constant 1.024000e+03 : f32
    %broadcast_in_dim3A_71 = vector.broadcast %jit3A_70 : f32 to vector<2048x128xf32>
    %select_n3A_72 = arith.select %lt3A_68, %broadcast_in_dim3A_71, %select_n3A_61 : vector<2048x128xi1>, vector<2048x128xf32>
    %slice3A_73 = vector.extract_strided_slice %dot_general3A_66 {offsets = [0, 128], sizes = [2048, 128], strides = [1, 1]} : vector<2048x1024xf32> to vector<2048x128xf32>
    %lt3A_74 = arith.cmpf olt, %slice3A_73, %select_n3A_69 : vector<2048x128xf32>
    %select_n3A_75 = arith.select %lt3A_74, %slice3A_73, %select_n3A_69 : vector<2048x128xi1>, vector<2048x128xf32>
    %jit3A_76 = arith.constant 1.152000e+03 : f32
    %broadcast_in_dim3A_77 = vector.broadcast %jit3A_76 : f32 to vector<2048x128xf32>
    %select_n3A_78 = arith.select %lt3A_74, %broadcast_in_dim3A_77, %select_n3A_72 : vector<2048x128xi1>, vector<2048x128xf32>
    %slice3A_79 = vector.extract_strided_slice %dot_general3A_66 {offsets = [0, 256], sizes = [2048, 128], strides = [1, 1]} : vector<2048x1024xf32> to vector<2048x128xf32>
    %lt3A_80 = arith.cmpf olt, %slice3A_79, %select_n3A_75 : vector<2048x128xf32>
    %select_n3A_81 = arith.select %lt3A_80, %slice3A_79, %select_n3A_75 : vector<2048x128xi1>, vector<2048x128xf32>
    %jit3A_82 = arith.constant 1.280000e+03 : f32
    %broadcast_in_dim3A_83 = vector.broadcast %jit3A_82 : f32 to vector<2048x128xf32>
    %select_n3A_84 = arith.select %lt3A_80, %broadcast_in_dim3A_83, %select_n3A_78 : vector<2048x128xi1>, vector<2048x128xf32>
    %slice3A_85 = vector.extract_strided_slice %dot_general3A_66 {offsets = [0, 384], sizes = [2048, 128], strides = [1, 1]} : vector<2048x1024xf32> to vector<2048x128xf32>
    %lt3A_86 = arith.cmpf olt, %slice3A_85, %select_n3A_81 : vector<2048x128xf32>
    %select_n3A_87 = arith.select %lt3A_86, %slice3A_85, %select_n3A_81 : vector<2048x128xi1>, vector<2048x128xf32>
    %jit3A_88 = arith.constant 1.408000e+03 : f32
    %broadcast_in_dim3A_89 = vector.broadcast %jit3A_88 : f32 to vector<2048x128xf32>
    %select_n3A_90 = arith.select %lt3A_86, %broadcast_in_dim3A_89, %select_n3A_84 : vector<2048x128xi1>, vector<2048x128xf32>
    %slice3A_91 = vector.extract_strided_slice %dot_general3A_66 {offsets = [0, 512], sizes = [2048, 128], strides = [1, 1]} : vector<2048x1024xf32> to vector<2048x128xf32>
    %lt3A_92 = arith.cmpf olt, %slice3A_91, %select_n3A_87 : vector<2048x128xf32>
    %select_n3A_93 = arith.select %lt3A_92, %slice3A_91, %select_n3A_87 : vector<2048x128xi1>, vector<2048x128xf32>
    %jit3A_94 = arith.constant 1.536000e+03 : f32
    %broadcast_in_dim3A_95 = vector.broadcast %jit3A_94 : f32 to vector<2048x128xf32>
    %select_n3A_96 = arith.select %lt3A_92, %broadcast_in_dim3A_95, %select_n3A_90 : vector<2048x128xi1>, vector<2048x128xf32>
    %slice3A_97 = vector.extract_strided_slice %dot_general3A_66 {offsets = [0, 640], sizes = [2048, 128], strides = [1, 1]} : vector<2048x1024xf32> to vector<2048x128xf32>
    %lt3A_98 = arith.cmpf olt, %slice3A_97, %select_n3A_93 : vector<2048x128xf32>
    %select_n3A_99 = arith.select %lt3A_98, %slice3A_97, %select_n3A_93 : vector<2048x128xi1>, vector<2048x128xf32>
    %jit3A_100 = arith.constant 1.664000e+03 : f32
    %broadcast_in_dim3A_101 = vector.broadcast %jit3A_100 : f32 to vector<2048x128xf32>
    %select_n3A_102 = arith.select %lt3A_98, %broadcast_in_dim3A_101, %select_n3A_96 : vector<2048x128xi1>, vector<2048x128xf32>
    %slice3A_103 = vector.extract_strided_slice %dot_general3A_66 {offsets = [0, 768], sizes = [2048, 128], strides = [1, 1]} : vector<2048x1024xf32> to vector<2048x128xf32>
    %lt3A_104 = arith.cmpf olt, %slice3A_103, %select_n3A_99 : vector<2048x128xf32>
    %select_n3A_105 = arith.select %lt3A_104, %slice3A_103, %select_n3A_99 : vector<2048x128xi1>, vector<2048x128xf32>
    %jit3A_106 = arith.constant 1.792000e+03 : f32
    %broadcast_in_dim3A_107 = vector.broadcast %jit3A_106 : f32 to vector<2048x128xf32>
    %select_n3A_108 = arith.select %lt3A_104, %broadcast_in_dim3A_107, %select_n3A_102 : vector<2048x128xi1>, vector<2048x128xf32>
    %slice3A_109 = vector.extract_strided_slice %dot_general3A_66 {offsets = [0, 896], sizes = [2048, 128], strides = [1, 1]} : vector<2048x1024xf32> to vector<2048x128xf32>
    %lt3A_110 = arith.cmpf olt, %slice3A_109, %select_n3A_105 : vector<2048x128xf32>
    %select_n3A_111 = arith.select %lt3A_110, %slice3A_109, %select_n3A_105 : vector<2048x128xi1>, vector<2048x128xf32>
    %jit3A_112 = arith.constant 1.920000e+03 : f32
    %broadcast_in_dim3A_113 = vector.broadcast %jit3A_112 : f32 to vector<2048x128xf32>
    %select_n3A_114 = arith.select %lt3A_110, %broadcast_in_dim3A_113, %select_n3A_108 : vector<2048x128xi1>, vector<2048x128xf32>
    %get3A_115 = arith.constant 0 : index
    %get3A_116 = arith.constant 2048 : index
    %get3A_117 = vector.load %arg5[%get3A_115, %get3A_116] : memref<40x8192xf32, #tpu.memory_space<vmem>>, vector<40x1024xf32>
    %dot_general3A_118 = arith.constant dense<0.000000e+00> : vector<2048x1024xf32>
    %dot_general3A_119 = tpu.matmul %concatenate3A, %get3A_117, %dot_general3A_118 {dimension_numbers = #tpu.dot_dimension_numbers<[1], [0], [0], [1], [0, 0, 1, 1], [], []>, transpose_lhs_hint = false} : vector<2048x40xf32>, vector<40x1024xf32>, vector<2048x1024xf32> -> vector<2048x1024xf32>
    %slice3A_120 = vector.extract_strided_slice %dot_general3A_119 {offsets = [0, 0], sizes = [2048, 128], strides = [1, 1]} : vector<2048x1024xf32> to vector<2048x128xf32>
    %lt3A_121 = arith.cmpf olt, %slice3A_120, %select_n3A_111 : vector<2048x128xf32>
    %select_n3A_122 = arith.select %lt3A_121, %slice3A_120, %select_n3A_111 : vector<2048x128xi1>, vector<2048x128xf32>
    %jit3A_123 = arith.constant 2.048000e+03 : f32
    %broadcast_in_dim3A_124 = vector.broadcast %jit3A_123 : f32 to vector<2048x128xf32>
    %select_n3A_125 = arith.select %lt3A_121, %broadcast_in_dim3A_124, %select_n3A_114 : vector<2048x128xi1>, vector<2048x128xf32>
    %slice3A_126 = vector.extract_strided_slice %dot_general3A_119 {offsets = [0, 128], sizes = [2048, 128], strides = [1, 1]} : vector<2048x1024xf32> to vector<2048x128xf32>
    %lt3A_127 = arith.cmpf olt, %slice3A_126, %select_n3A_122 : vector<2048x128xf32>
    %select_n3A_128 = arith.select %lt3A_127, %slice3A_126, %select_n3A_122 : vector<2048x128xi1>, vector<2048x128xf32>
    %jit3A_129 = arith.constant 2.176000e+03 : f32
    %broadcast_in_dim3A_130 = vector.broadcast %jit3A_129 : f32 to vector<2048x128xf32>
    %select_n3A_131 = arith.select %lt3A_127, %broadcast_in_dim3A_130, %select_n3A_125 : vector<2048x128xi1>, vector<2048x128xf32>
    %slice3A_132 = vector.extract_strided_slice %dot_general3A_119 {offsets = [0, 256], sizes = [2048, 128], strides = [1, 1]} : vector<2048x1024xf32> to vector<2048x128xf32>
    %lt3A_133 = arith.cmpf olt, %slice3A_132, %select_n3A_128 : vector<2048x128xf32>
    %select_n3A_134 = arith.select %lt3A_133, %slice3A_132, %select_n3A_128 : vector<2048x128xi1>, vector<2048x128xf32>
    %jit3A_135 = arith.constant 2.304000e+03 : f32
    %broadcast_in_dim3A_136 = vector.broadcast %jit3A_135 : f32 to vector<2048x128xf32>
    %select_n3A_137 = arith.select %lt3A_133, %broadcast_in_dim3A_136, %select_n3A_131 : vector<2048x128xi1>, vector<2048x128xf32>
    %slice3A_138 = vector.extract_strided_slice %dot_general3A_119 {offsets = [0, 384], sizes = [2048, 128], strides = [1, 1]} : vector<2048x1024xf32> to vector<2048x128xf32>
    %lt3A_139 = arith.cmpf olt, %slice3A_138, %select_n3A_134 : vector<2048x128xf32>
    %select_n3A_140 = arith.select %lt3A_139, %slice3A_138, %select_n3A_134 : vector<2048x128xi1>, vector<2048x128xf32>
    %jit3A_141 = arith.constant 2.432000e+03 : f32
    %broadcast_in_dim3A_142 = vector.broadcast %jit3A_141 : f32 to vector<2048x128xf32>
    %select_n3A_143 = arith.select %lt3A_139, %broadcast_in_dim3A_142, %select_n3A_137 : vector<2048x128xi1>, vector<2048x128xf32>
    %slice3A_144 = vector.extract_strided_slice %dot_general3A_119 {offsets = [0, 512], sizes = [2048, 128], strides = [1, 1]} : vector<2048x1024xf32> to vector<2048x128xf32>
    %lt3A_145 = arith.cmpf olt, %slice3A_144, %select_n3A_140 : vector<2048x128xf32>
    %select_n3A_146 = arith.select %lt3A_145, %slice3A_144, %select_n3A_140 : vector<2048x128xi1>, vector<2048x128xf32>
    %jit3A_147 = arith.constant 2.560000e+03 : f32
    %broadcast_in_dim3A_148 = vector.broadcast %jit3A_147 : f32 to vector<2048x128xf32>
    %select_n3A_149 = arith.select %lt3A_145, %broadcast_in_dim3A_148, %select_n3A_143 : vector<2048x128xi1>, vector<2048x128xf32>
    %slice3A_150 = vector.extract_strided_slice %dot_general3A_119 {offsets = [0, 640], sizes = [2048, 128], strides = [1, 1]} : vector<2048x1024xf32> to vector<2048x128xf32>
    %lt3A_151 = arith.cmpf olt, %slice3A_150, %select_n3A_146 : vector<2048x128xf32>
    %select_n3A_152 = arith.select %lt3A_151, %slice3A_150, %select_n3A_146 : vector<2048x128xi1>, vector<2048x128xf32>
    %jit3A_153 = arith.constant 2.688000e+03 : f32
    %broadcast_in_dim3A_154 = vector.broadcast %jit3A_153 : f32 to vector<2048x128xf32>
    %select_n3A_155 = arith.select %lt3A_151, %broadcast_in_dim3A_154, %select_n3A_149 : vector<2048x128xi1>, vector<2048x128xf32>
    %slice3A_156 = vector.extract_strided_slice %dot_general3A_119 {offsets = [0, 768], sizes = [2048, 128], strides = [1, 1]} : vector<2048x1024xf32> to vector<2048x128xf32>
    %lt3A_157 = arith.cmpf olt, %slice3A_156, %select_n3A_152 : vector<2048x128xf32>
    %select_n3A_158 = arith.select %lt3A_157, %slice3A_156, %select_n3A_152 : vector<2048x128xi1>, vector<2048x128xf32>
    %jit3A_159 = arith.constant 2.816000e+03 : f32
    %broadcast_in_dim3A_160 = vector.broadcast %jit3A_159 : f32 to vector<2048x128xf32>
    %select_n3A_161 = arith.select %lt3A_157, %broadcast_in_dim3A_160, %select_n3A_155 : vector<2048x128xi1>, vector<2048x128xf32>
    %slice3A_162 = vector.extract_strided_slice %dot_general3A_119 {offsets = [0, 896], sizes = [2048, 128], strides = [1, 1]} : vector<2048x1024xf32> to vector<2048x128xf32>
    %lt3A_163 = arith.cmpf olt, %slice3A_162, %select_n3A_158 : vector<2048x128xf32>
    %select_n3A_164 = arith.select %lt3A_163, %slice3A_162, %select_n3A_158 : vector<2048x128xi1>, vector<2048x128xf32>
    %jit3A_165 = arith.constant 2.944000e+03 : f32
    %broadcast_in_dim3A_166 = vector.broadcast %jit3A_165 : f32 to vector<2048x128xf32>
    %select_n3A_167 = arith.select %lt3A_163, %broadcast_in_dim3A_166, %select_n3A_161 : vector<2048x128xi1>, vector<2048x128xf32>
    %get3A_168 = arith.constant 0 : index
    %get3A_169 = arith.constant 3072 : index
    %get3A_170 = vector.load %arg5[%get3A_168, %get3A_169] : memref<40x8192xf32, #tpu.memory_space<vmem>>, vector<40x1024xf32>
    %dot_general3A_171 = arith.constant dense<0.000000e+00> : vector<2048x1024xf32>
    %dot_general3A_172 = tpu.matmul %concatenate3A, %get3A_170, %dot_general3A_171 {dimension_numbers = #tpu.dot_dimension_numbers<[1], [0], [0], [1], [0, 0, 1, 1], [], []>, transpose_lhs_hint = false} : vector<2048x40xf32>, vector<40x1024xf32>, vector<2048x1024xf32> -> vector<2048x1024xf32>
    %slice3A_173 = vector.extract_strided_slice %dot_general3A_172 {offsets = [0, 0], sizes = [2048, 128], strides = [1, 1]} : vector<2048x1024xf32> to vector<2048x128xf32>
    %lt3A_174 = arith.cmpf olt, %slice3A_173, %select_n3A_164 : vector<2048x128xf32>
    %select_n3A_175 = arith.select %lt3A_174, %slice3A_173, %select_n3A_164 : vector<2048x128xi1>, vector<2048x128xf32>
    %jit3A_176 = arith.constant 3.072000e+03 : f32
    %broadcast_in_dim3A_177 = vector.broadcast %jit3A_176 : f32 to vector<2048x128xf32>
    %select_n3A_178 = arith.select %lt3A_174, %broadcast_in_dim3A_177, %select_n3A_167 : vector<2048x128xi1>, vector<2048x128xf32>
    %slice3A_179 = vector.extract_strided_slice %dot_general3A_172 {offsets = [0, 128], sizes = [2048, 128], strides = [1, 1]} : vector<2048x1024xf32> to vector<2048x128xf32>
    %lt3A_180 = arith.cmpf olt, %slice3A_179, %select_n3A_175 : vector<2048x128xf32>
    %select_n3A_181 = arith.select %lt3A_180, %slice3A_179, %select_n3A_175 : vector<2048x128xi1>, vector<2048x128xf32>
    %jit3A_182 = arith.constant 3.200000e+03 : f32
    %broadcast_in_dim3A_183 = vector.broadcast %jit3A_182 : f32 to vector<2048x128xf32>
    %select_n3A_184 = arith.select %lt3A_180, %broadcast_in_dim3A_183, %select_n3A_178 : vector<2048x128xi1>, vector<2048x128xf32>
    %slice3A_185 = vector.extract_strided_slice %dot_general3A_172 {offsets = [0, 256], sizes = [2048, 128], strides = [1, 1]} : vector<2048x1024xf32> to vector<2048x128xf32>
    %lt3A_186 = arith.cmpf olt, %slice3A_185, %select_n3A_181 : vector<2048x128xf32>
    %select_n3A_187 = arith.select %lt3A_186, %slice3A_185, %select_n3A_181 : vector<2048x128xi1>, vector<2048x128xf32>
    %jit3A_188 = arith.constant 3.328000e+03 : f32
    %broadcast_in_dim3A_189 = vector.broadcast %jit3A_188 : f32 to vector<2048x128xf32>
    %select_n3A_190 = arith.select %lt3A_186, %broadcast_in_dim3A_189, %select_n3A_184 : vector<2048x128xi1>, vector<2048x128xf32>
    %slice3A_191 = vector.extract_strided_slice %dot_general3A_172 {offsets = [0, 384], sizes = [2048, 128], strides = [1, 1]} : vector<2048x1024xf32> to vector<2048x128xf32>
    %lt3A_192 = arith.cmpf olt, %slice3A_191, %select_n3A_187 : vector<2048x128xf32>
    %select_n3A_193 = arith.select %lt3A_192, %slice3A_191, %select_n3A_187 : vector<2048x128xi1>, vector<2048x128xf32>
    %jit3A_194 = arith.constant 3.456000e+03 : f32
    %broadcast_in_dim3A_195 = vector.broadcast %jit3A_194 : f32 to vector<2048x128xf32>
    %select_n3A_196 = arith.select %lt3A_192, %broadcast_in_dim3A_195, %select_n3A_190 : vector<2048x128xi1>, vector<2048x128xf32>
    %slice3A_197 = vector.extract_strided_slice %dot_general3A_172 {offsets = [0, 512], sizes = [2048, 128], strides = [1, 1]} : vector<2048x1024xf32> to vector<2048x128xf32>
    %lt3A_198 = arith.cmpf olt, %slice3A_197, %select_n3A_193 : vector<2048x128xf32>
    %select_n3A_199 = arith.select %lt3A_198, %slice3A_197, %select_n3A_193 : vector<2048x128xi1>, vector<2048x128xf32>
    %jit3A_200 = arith.constant 3.584000e+03 : f32
    %broadcast_in_dim3A_201 = vector.broadcast %jit3A_200 : f32 to vector<2048x128xf32>
    %select_n3A_202 = arith.select %lt3A_198, %broadcast_in_dim3A_201, %select_n3A_196 : vector<2048x128xi1>, vector<2048x128xf32>
    %slice3A_203 = vector.extract_strided_slice %dot_general3A_172 {offsets = [0, 640], sizes = [2048, 128], strides = [1, 1]} : vector<2048x1024xf32> to vector<2048x128xf32>
    %lt3A_204 = arith.cmpf olt, %slice3A_203, %select_n3A_199 : vector<2048x128xf32>
    %select_n3A_205 = arith.select %lt3A_204, %slice3A_203, %select_n3A_199 : vector<2048x128xi1>, vector<2048x128xf32>
    %jit3A_206 = arith.constant 3.712000e+03 : f32
    %broadcast_in_dim3A_207 = vector.broadcast %jit3A_206 : f32 to vector<2048x128xf32>
    %select_n3A_208 = arith.select %lt3A_204, %broadcast_in_dim3A_207, %select_n3A_202 : vector<2048x128xi1>, vector<2048x128xf32>
    %slice3A_209 = vector.extract_strided_slice %dot_general3A_172 {offsets = [0, 768], sizes = [2048, 128], strides = [1, 1]} : vector<2048x1024xf32> to vector<2048x128xf32>
    %lt3A_210 = arith.cmpf olt, %slice3A_209, %select_n3A_205 : vector<2048x128xf32>
    %select_n3A_211 = arith.select %lt3A_210, %slice3A_209, %select_n3A_205 : vector<2048x128xi1>, vector<2048x128xf32>
    %jit3A_212 = arith.constant 3.840000e+03 : f32
    %broadcast_in_dim3A_213 = vector.broadcast %jit3A_212 : f32 to vector<2048x128xf32>
    %select_n3A_214 = arith.select %lt3A_210, %broadcast_in_dim3A_213, %select_n3A_208 : vector<2048x128xi1>, vector<2048x128xf32>
    %slice3A_215 = vector.extract_strided_slice %dot_general3A_172 {offsets = [0, 896], sizes = [2048, 128], strides = [1, 1]} : vector<2048x1024xf32> to vector<2048x128xf32>
    %lt3A_216 = arith.cmpf olt, %slice3A_215, %select_n3A_211 : vector<2048x128xf32>
    %select_n3A_217 = arith.select %lt3A_216, %slice3A_215, %select_n3A_211 : vector<2048x128xi1>, vector<2048x128xf32>
    %jit3A_218 = arith.constant 3.968000e+03 : f32
    %broadcast_in_dim3A_219 = vector.broadcast %jit3A_218 : f32 to vector<2048x128xf32>
    %select_n3A_220 = arith.select %lt3A_216, %broadcast_in_dim3A_219, %select_n3A_214 : vector<2048x128xi1>, vector<2048x128xf32>
    %get3A_221 = arith.constant 0 : index
    %get3A_222 = arith.constant 4096 : index
    %get3A_223 = vector.load %arg5[%get3A_221, %get3A_222] : memref<40x8192xf32, #tpu.memory_space<vmem>>, vector<40x1024xf32>
    %dot_general3A_224 = arith.constant dense<0.000000e+00> : vector<2048x1024xf32>
    %dot_general3A_225 = tpu.matmul %concatenate3A, %get3A_223, %dot_general3A_224 {dimension_numbers = #tpu.dot_dimension_numbers<[1], [0], [0], [1], [0, 0, 1, 1], [], []>, transpose_lhs_hint = false} : vector<2048x40xf32>, vector<40x1024xf32>, vector<2048x1024xf32> -> vector<2048x1024xf32>
    %slice3A_226 = vector.extract_strided_slice %dot_general3A_225 {offsets = [0, 0], sizes = [2048, 128], strides = [1, 1]} : vector<2048x1024xf32> to vector<2048x128xf32>
    %lt3A_227 = arith.cmpf olt, %slice3A_226, %select_n3A_217 : vector<2048x128xf32>
    %select_n3A_228 = arith.select %lt3A_227, %slice3A_226, %select_n3A_217 : vector<2048x128xi1>, vector<2048x128xf32>
    %jit3A_229 = arith.constant 4.096000e+03 : f32
    %broadcast_in_dim3A_230 = vector.broadcast %jit3A_229 : f32 to vector<2048x128xf32>
    %select_n3A_231 = arith.select %lt3A_227, %broadcast_in_dim3A_230, %select_n3A_220 : vector<2048x128xi1>, vector<2048x128xf32>
    %slice3A_232 = vector.extract_strided_slice %dot_general3A_225 {offsets = [0, 128], sizes = [2048, 128], strides = [1, 1]} : vector<2048x1024xf32> to vector<2048x128xf32>
    %lt3A_233 = arith.cmpf olt, %slice3A_232, %select_n3A_228 : vector<2048x128xf32>
    %select_n3A_234 = arith.select %lt3A_233, %slice3A_232, %select_n3A_228 : vector<2048x128xi1>, vector<2048x128xf32>
    %jit3A_235 = arith.constant 4.224000e+03 : f32
    %broadcast_in_dim3A_236 = vector.broadcast %jit3A_235 : f32 to vector<2048x128xf32>
    %select_n3A_237 = arith.select %lt3A_233, %broadcast_in_dim3A_236, %select_n3A_231 : vector<2048x128xi1>, vector<2048x128xf32>
    %slice3A_238 = vector.extract_strided_slice %dot_general3A_225 {offsets = [0, 256], sizes = [2048, 128], strides = [1, 1]} : vector<2048x1024xf32> to vector<2048x128xf32>
    %lt3A_239 = arith.cmpf olt, %slice3A_238, %select_n3A_234 : vector<2048x128xf32>
    %select_n3A_240 = arith.select %lt3A_239, %slice3A_238, %select_n3A_234 : vector<2048x128xi1>, vector<2048x128xf32>
    %jit3A_241 = arith.constant 4.352000e+03 : f32
    %broadcast_in_dim3A_242 = vector.broadcast %jit3A_241 : f32 to vector<2048x128xf32>
    %select_n3A_243 = arith.select %lt3A_239, %broadcast_in_dim3A_242, %select_n3A_237 : vector<2048x128xi1>, vector<2048x128xf32>
    %slice3A_244 = vector.extract_strided_slice %dot_general3A_225 {offsets = [0, 384], sizes = [2048, 128], strides = [1, 1]} : vector<2048x1024xf32> to vector<2048x128xf32>
    %lt3A_245 = arith.cmpf olt, %slice3A_244, %select_n3A_240 : vector<2048x128xf32>
    %select_n3A_246 = arith.select %lt3A_245, %slice3A_244, %select_n3A_240 : vector<2048x128xi1>, vector<2048x128xf32>
    %jit3A_247 = arith.constant 4.480000e+03 : f32
    %broadcast_in_dim3A_248 = vector.broadcast %jit3A_247 : f32 to vector<2048x128xf32>
    %select_n3A_249 = arith.select %lt3A_245, %broadcast_in_dim3A_248, %select_n3A_243 : vector<2048x128xi1>, vector<2048x128xf32>
    %slice3A_250 = vector.extract_strided_slice %dot_general3A_225 {offsets = [0, 512], sizes = [2048, 128], strides = [1, 1]} : vector<2048x1024xf32> to vector<2048x128xf32>
    %lt3A_251 = arith.cmpf olt, %slice3A_250, %select_n3A_246 : vector<2048x128xf32>
    %select_n3A_252 = arith.select %lt3A_251, %slice3A_250, %select_n3A_246 : vector<2048x128xi1>, vector<2048x128xf32>
    %jit3A_253 = arith.constant 4.608000e+03 : f32
    %broadcast_in_dim3A_254 = vector.broadcast %jit3A_253 : f32 to vector<2048x128xf32>
    %select_n3A_255 = arith.select %lt3A_251, %broadcast_in_dim3A_254, %select_n3A_249 : vector<2048x128xi1>, vector<2048x128xf32>
    %slice3A_256 = vector.extract_strided_slice %dot_general3A_225 {offsets = [0, 640], sizes = [2048, 128], strides = [1, 1]} : vector<2048x1024xf32> to vector<2048x128xf32>
    %lt3A_257 = arith.cmpf olt, %slice3A_256, %select_n3A_252 : vector<2048x128xf32>
    %select_n3A_258 = arith.select %lt3A_257, %slice3A_256, %select_n3A_252 : vector<2048x128xi1>, vector<2048x128xf32>
    %jit3A_259 = arith.constant 4.736000e+03 : f32
    %broadcast_in_dim3A_260 = vector.broadcast %jit3A_259 : f32 to vector<2048x128xf32>
    %select_n3A_261 = arith.select %lt3A_257, %broadcast_in_dim3A_260, %select_n3A_255 : vector<2048x128xi1>, vector<2048x128xf32>
    %slice3A_262 = vector.extract_strided_slice %dot_general3A_225 {offsets = [0, 768], sizes = [2048, 128], strides = [1, 1]} : vector<2048x1024xf32> to vector<2048x128xf32>
    %lt3A_263 = arith.cmpf olt, %slice3A_262, %select_n3A_258 : vector<2048x128xf32>
    %select_n3A_264 = arith.select %lt3A_263, %slice3A_262, %select_n3A_258 : vector<2048x128xi1>, vector<2048x128xf32>
    %jit3A_265 = arith.constant 4.864000e+03 : f32
    %broadcast_in_dim3A_266 = vector.broadcast %jit3A_265 : f32 to vector<2048x128xf32>
    %select_n3A_267 = arith.select %lt3A_263, %broadcast_in_dim3A_266, %select_n3A_261 : vector<2048x128xi1>, vector<2048x128xf32>
    %slice3A_268 = vector.extract_strided_slice %dot_general3A_225 {offsets = [0, 896], sizes = [2048, 128], strides = [1, 1]} : vector<2048x1024xf32> to vector<2048x128xf32>
    %lt3A_269 = arith.cmpf olt, %slice3A_268, %select_n3A_264 : vector<2048x128xf32>
    %select_n3A_270 = arith.select %lt3A_269, %slice3A_268, %select_n3A_264 : vector<2048x128xi1>, vector<2048x128xf32>
    %jit3A_271 = arith.constant 4.992000e+03 : f32
    %broadcast_in_dim3A_272 = vector.broadcast %jit3A_271 : f32 to vector<2048x128xf32>
    %select_n3A_273 = arith.select %lt3A_269, %broadcast_in_dim3A_272, %select_n3A_267 : vector<2048x128xi1>, vector<2048x128xf32>
    %get3A_274 = arith.constant 0 : index
    %get3A_275 = arith.constant 5120 : index
    %get3A_276 = vector.load %arg5[%get3A_274, %get3A_275] : memref<40x8192xf32, #tpu.memory_space<vmem>>, vector<40x1024xf32>
    %dot_general3A_277 = arith.constant dense<0.000000e+00> : vector<2048x1024xf32>
    %dot_general3A_278 = tpu.matmul %concatenate3A, %get3A_276, %dot_general3A_277 {dimension_numbers = #tpu.dot_dimension_numbers<[1], [0], [0], [1], [0, 0, 1, 1], [], []>, transpose_lhs_hint = false} : vector<2048x40xf32>, vector<40x1024xf32>, vector<2048x1024xf32> -> vector<2048x1024xf32>
    %slice3A_279 = vector.extract_strided_slice %dot_general3A_278 {offsets = [0, 0], sizes = [2048, 128], strides = [1, 1]} : vector<2048x1024xf32> to vector<2048x128xf32>
    %lt3A_280 = arith.cmpf olt, %slice3A_279, %select_n3A_270 : vector<2048x128xf32>
    %select_n3A_281 = arith.select %lt3A_280, %slice3A_279, %select_n3A_270 : vector<2048x128xi1>, vector<2048x128xf32>
    %jit3A_282 = arith.constant 5.120000e+03 : f32
    %broadcast_in_dim3A_283 = vector.broadcast %jit3A_282 : f32 to vector<2048x128xf32>
    %select_n3A_284 = arith.select %lt3A_280, %broadcast_in_dim3A_283, %select_n3A_273 : vector<2048x128xi1>, vector<2048x128xf32>
    %slice3A_285 = vector.extract_strided_slice %dot_general3A_278 {offsets = [0, 128], sizes = [2048, 128], strides = [1, 1]} : vector<2048x1024xf32> to vector<2048x128xf32>
    %lt3A_286 = arith.cmpf olt, %slice3A_285, %select_n3A_281 : vector<2048x128xf32>
    %select_n3A_287 = arith.select %lt3A_286, %slice3A_285, %select_n3A_281 : vector<2048x128xi1>, vector<2048x128xf32>
    %jit3A_288 = arith.constant 5.248000e+03 : f32
    %broadcast_in_dim3A_289 = vector.broadcast %jit3A_288 : f32 to vector<2048x128xf32>
    %select_n3A_290 = arith.select %lt3A_286, %broadcast_in_dim3A_289, %select_n3A_284 : vector<2048x128xi1>, vector<2048x128xf32>
    %slice3A_291 = vector.extract_strided_slice %dot_general3A_278 {offsets = [0, 256], sizes = [2048, 128], strides = [1, 1]} : vector<2048x1024xf32> to vector<2048x128xf32>
    %lt3A_292 = arith.cmpf olt, %slice3A_291, %select_n3A_287 : vector<2048x128xf32>
    %select_n3A_293 = arith.select %lt3A_292, %slice3A_291, %select_n3A_287 : vector<2048x128xi1>, vector<2048x128xf32>
    %jit3A_294 = arith.constant 5.376000e+03 : f32
    %broadcast_in_dim3A_295 = vector.broadcast %jit3A_294 : f32 to vector<2048x128xf32>
    %select_n3A_296 = arith.select %lt3A_292, %broadcast_in_dim3A_295, %select_n3A_290 : vector<2048x128xi1>, vector<2048x128xf32>
    %slice3A_297 = vector.extract_strided_slice %dot_general3A_278 {offsets = [0, 384], sizes = [2048, 128], strides = [1, 1]} : vector<2048x1024xf32> to vector<2048x128xf32>
    %lt3A_298 = arith.cmpf olt, %slice3A_297, %select_n3A_293 : vector<2048x128xf32>
    %select_n3A_299 = arith.select %lt3A_298, %slice3A_297, %select_n3A_293 : vector<2048x128xi1>, vector<2048x128xf32>
    %jit3A_300 = arith.constant 5.504000e+03 : f32
    %broadcast_in_dim3A_301 = vector.broadcast %jit3A_300 : f32 to vector<2048x128xf32>
    %select_n3A_302 = arith.select %lt3A_298, %broadcast_in_dim3A_301, %select_n3A_296 : vector<2048x128xi1>, vector<2048x128xf32>
    %slice3A_303 = vector.extract_strided_slice %dot_general3A_278 {offsets = [0, 512], sizes = [2048, 128], strides = [1, 1]} : vector<2048x1024xf32> to vector<2048x128xf32>
    %lt3A_304 = arith.cmpf olt, %slice3A_303, %select_n3A_299 : vector<2048x128xf32>
    %select_n3A_305 = arith.select %lt3A_304, %slice3A_303, %select_n3A_299 : vector<2048x128xi1>, vector<2048x128xf32>
    %jit3A_306 = arith.constant 5.632000e+03 : f32
    %broadcast_in_dim3A_307 = vector.broadcast %jit3A_306 : f32 to vector<2048x128xf32>
    %select_n3A_308 = arith.select %lt3A_304, %broadcast_in_dim3A_307, %select_n3A_302 : vector<2048x128xi1>, vector<2048x128xf32>
    %slice3A_309 = vector.extract_strided_slice %dot_general3A_278 {offsets = [0, 640], sizes = [2048, 128], strides = [1, 1]} : vector<2048x1024xf32> to vector<2048x128xf32>
    %lt3A_310 = arith.cmpf olt, %slice3A_309, %select_n3A_305 : vector<2048x128xf32>
    %select_n3A_311 = arith.select %lt3A_310, %slice3A_309, %select_n3A_305 : vector<2048x128xi1>, vector<2048x128xf32>
    %jit3A_312 = arith.constant 5.760000e+03 : f32
    %broadcast_in_dim3A_313 = vector.broadcast %jit3A_312 : f32 to vector<2048x128xf32>
    %select_n3A_314 = arith.select %lt3A_310, %broadcast_in_dim3A_313, %select_n3A_308 : vector<2048x128xi1>, vector<2048x128xf32>
    %slice3A_315 = vector.extract_strided_slice %dot_general3A_278 {offsets = [0, 768], sizes = [2048, 128], strides = [1, 1]} : vector<2048x1024xf32> to vector<2048x128xf32>
    %lt3A_316 = arith.cmpf olt, %slice3A_315, %select_n3A_311 : vector<2048x128xf32>
    %select_n3A_317 = arith.select %lt3A_316, %slice3A_315, %select_n3A_311 : vector<2048x128xi1>, vector<2048x128xf32>
    %jit3A_318 = arith.constant 5.888000e+03 : f32
    %broadcast_in_dim3A_319 = vector.broadcast %jit3A_318 : f32 to vector<2048x128xf32>
    %select_n3A_320 = arith.select %lt3A_316, %broadcast_in_dim3A_319, %select_n3A_314 : vector<2048x128xi1>, vector<2048x128xf32>
    %slice3A_321 = vector.extract_strided_slice %dot_general3A_278 {offsets = [0, 896], sizes = [2048, 128], strides = [1, 1]} : vector<2048x1024xf32> to vector<2048x128xf32>
    %lt3A_322 = arith.cmpf olt, %slice3A_321, %select_n3A_317 : vector<2048x128xf32>
    %select_n3A_323 = arith.select %lt3A_322, %slice3A_321, %select_n3A_317 : vector<2048x128xi1>, vector<2048x128xf32>
    %jit3A_324 = arith.constant 6.016000e+03 : f32
    %broadcast_in_dim3A_325 = vector.broadcast %jit3A_324 : f32 to vector<2048x128xf32>
    %select_n3A_326 = arith.select %lt3A_322, %broadcast_in_dim3A_325, %select_n3A_320 : vector<2048x128xi1>, vector<2048x128xf32>
    %get3A_327 = arith.constant 0 : index
    %get3A_328 = arith.constant 6144 : index
    %get3A_329 = vector.load %arg5[%get3A_327, %get3A_328] : memref<40x8192xf32, #tpu.memory_space<vmem>>, vector<40x1024xf32>
    %dot_general3A_330 = arith.constant dense<0.000000e+00> : vector<2048x1024xf32>
    %dot_general3A_331 = tpu.matmul %concatenate3A, %get3A_329, %dot_general3A_330 {dimension_numbers = #tpu.dot_dimension_numbers<[1], [0], [0], [1], [0, 0, 1, 1], [], []>, transpose_lhs_hint = false} : vector<2048x40xf32>, vector<40x1024xf32>, vector<2048x1024xf32> -> vector<2048x1024xf32>
    %slice3A_332 = vector.extract_strided_slice %dot_general3A_331 {offsets = [0, 0], sizes = [2048, 128], strides = [1, 1]} : vector<2048x1024xf32> to vector<2048x128xf32>
    %lt3A_333 = arith.cmpf olt, %slice3A_332, %select_n3A_323 : vector<2048x128xf32>
    %select_n3A_334 = arith.select %lt3A_333, %slice3A_332, %select_n3A_323 : vector<2048x128xi1>, vector<2048x128xf32>
    %jit3A_335 = arith.constant 6.144000e+03 : f32
    %broadcast_in_dim3A_336 = vector.broadcast %jit3A_335 : f32 to vector<2048x128xf32>
    %select_n3A_337 = arith.select %lt3A_333, %broadcast_in_dim3A_336, %select_n3A_326 : vector<2048x128xi1>, vector<2048x128xf32>
    %slice3A_338 = vector.extract_strided_slice %dot_general3A_331 {offsets = [0, 128], sizes = [2048, 128], strides = [1, 1]} : vector<2048x1024xf32> to vector<2048x128xf32>
    %lt3A_339 = arith.cmpf olt, %slice3A_338, %select_n3A_334 : vector<2048x128xf32>
    %select_n3A_340 = arith.select %lt3A_339, %slice3A_338, %select_n3A_334 : vector<2048x128xi1>, vector<2048x128xf32>
    %jit3A_341 = arith.constant 6.272000e+03 : f32
    %broadcast_in_dim3A_342 = vector.broadcast %jit3A_341 : f32 to vector<2048x128xf32>
    %select_n3A_343 = arith.select %lt3A_339, %broadcast_in_dim3A_342, %select_n3A_337 : vector<2048x128xi1>, vector<2048x128xf32>
    %slice3A_344 = vector.extract_strided_slice %dot_general3A_331 {offsets = [0, 256], sizes = [2048, 128], strides = [1, 1]} : vector<2048x1024xf32> to vector<2048x128xf32>
    %lt3A_345 = arith.cmpf olt, %slice3A_344, %select_n3A_340 : vector<2048x128xf32>
    %select_n3A_346 = arith.select %lt3A_345, %slice3A_344, %select_n3A_340 : vector<2048x128xi1>, vector<2048x128xf32>
    %jit3A_347 = arith.constant 6.400000e+03 : f32
    %broadcast_in_dim3A_348 = vector.broadcast %jit3A_347 : f32 to vector<2048x128xf32>
    %select_n3A_349 = arith.select %lt3A_345, %broadcast_in_dim3A_348, %select_n3A_343 : vector<2048x128xi1>, vector<2048x128xf32>
    %slice3A_350 = vector.extract_strided_slice %dot_general3A_331 {offsets = [0, 384], sizes = [2048, 128], strides = [1, 1]} : vector<2048x1024xf32> to vector<2048x128xf32>
    %lt3A_351 = arith.cmpf olt, %slice3A_350, %select_n3A_346 : vector<2048x128xf32>
    %select_n3A_352 = arith.select %lt3A_351, %slice3A_350, %select_n3A_346 : vector<2048x128xi1>, vector<2048x128xf32>
    %jit3A_353 = arith.constant 6.528000e+03 : f32
    %broadcast_in_dim3A_354 = vector.broadcast %jit3A_353 : f32 to vector<2048x128xf32>
    %select_n3A_355 = arith.select %lt3A_351, %broadcast_in_dim3A_354, %select_n3A_349 : vector<2048x128xi1>, vector<2048x128xf32>
    %slice3A_356 = vector.extract_strided_slice %dot_general3A_331 {offsets = [0, 512], sizes = [2048, 128], strides = [1, 1]} : vector<2048x1024xf32> to vector<2048x128xf32>
    %lt3A_357 = arith.cmpf olt, %slice3A_356, %select_n3A_352 : vector<2048x128xf32>
    %select_n3A_358 = arith.select %lt3A_357, %slice3A_356, %select_n3A_352 : vector<2048x128xi1>, vector<2048x128xf32>
    %jit3A_359 = arith.constant 6.656000e+03 : f32
    %broadcast_in_dim3A_360 = vector.broadcast %jit3A_359 : f32 to vector<2048x128xf32>
    %select_n3A_361 = arith.select %lt3A_357, %broadcast_in_dim3A_360, %select_n3A_355 : vector<2048x128xi1>, vector<2048x128xf32>
    %slice3A_362 = vector.extract_strided_slice %dot_general3A_331 {offsets = [0, 640], sizes = [2048, 128], strides = [1, 1]} : vector<2048x1024xf32> to vector<2048x128xf32>
    %lt3A_363 = arith.cmpf olt, %slice3A_362, %select_n3A_358 : vector<2048x128xf32>
    %select_n3A_364 = arith.select %lt3A_363, %slice3A_362, %select_n3A_358 : vector<2048x128xi1>, vector<2048x128xf32>
    %jit3A_365 = arith.constant 6.784000e+03 : f32
    %broadcast_in_dim3A_366 = vector.broadcast %jit3A_365 : f32 to vector<2048x128xf32>
    %select_n3A_367 = arith.select %lt3A_363, %broadcast_in_dim3A_366, %select_n3A_361 : vector<2048x128xi1>, vector<2048x128xf32>
    %slice3A_368 = vector.extract_strided_slice %dot_general3A_331 {offsets = [0, 768], sizes = [2048, 128], strides = [1, 1]} : vector<2048x1024xf32> to vector<2048x128xf32>
    %lt3A_369 = arith.cmpf olt, %slice3A_368, %select_n3A_364 : vector<2048x128xf32>
    %select_n3A_370 = arith.select %lt3A_369, %slice3A_368, %select_n3A_364 : vector<2048x128xi1>, vector<2048x128xf32>
    %jit3A_371 = arith.constant 6.912000e+03 : f32
    %broadcast_in_dim3A_372 = vector.broadcast %jit3A_371 : f32 to vector<2048x128xf32>
    %select_n3A_373 = arith.select %lt3A_369, %broadcast_in_dim3A_372, %select_n3A_367 : vector<2048x128xi1>, vector<2048x128xf32>
    %slice3A_374 = vector.extract_strided_slice %dot_general3A_331 {offsets = [0, 896], sizes = [2048, 128], strides = [1, 1]} : vector<2048x1024xf32> to vector<2048x128xf32>
    %lt3A_375 = arith.cmpf olt, %slice3A_374, %select_n3A_370 : vector<2048x128xf32>
    %select_n3A_376 = arith.select %lt3A_375, %slice3A_374, %select_n3A_370 : vector<2048x128xi1>, vector<2048x128xf32>
    %jit3A_377 = arith.constant 7.040000e+03 : f32
    %broadcast_in_dim3A_378 = vector.broadcast %jit3A_377 : f32 to vector<2048x128xf32>
    %select_n3A_379 = arith.select %lt3A_375, %broadcast_in_dim3A_378, %select_n3A_373 : vector<2048x128xi1>, vector<2048x128xf32>
    %get3A_380 = arith.constant 0 : index
    %get3A_381 = arith.constant 7168 : index
    %get3A_382 = vector.load %arg5[%get3A_380, %get3A_381] : memref<40x8192xf32, #tpu.memory_space<vmem>>, vector<40x1024xf32>
    %dot_general3A_383 = arith.constant dense<0.000000e+00> : vector<2048x1024xf32>
    %dot_general3A_384 = tpu.matmul %concatenate3A, %get3A_382, %dot_general3A_383 {dimension_numbers = #tpu.dot_dimension_numbers<[1], [0], [0], [1], [0, 0, 1, 1], [], []>, transpose_lhs_hint = false} : vector<2048x40xf32>, vector<40x1024xf32>, vector<2048x1024xf32> -> vector<2048x1024xf32>
    %slice3A_385 = vector.extract_strided_slice %dot_general3A_384 {offsets = [0, 0], sizes = [2048, 128], strides = [1, 1]} : vector<2048x1024xf32> to vector<2048x128xf32>
    %lt3A_386 = arith.cmpf olt, %slice3A_385, %select_n3A_376 : vector<2048x128xf32>
    %select_n3A_387 = arith.select %lt3A_386, %slice3A_385, %select_n3A_376 : vector<2048x128xi1>, vector<2048x128xf32>
    %jit3A_388 = arith.constant 7.168000e+03 : f32
    %broadcast_in_dim3A_389 = vector.broadcast %jit3A_388 : f32 to vector<2048x128xf32>
    %select_n3A_390 = arith.select %lt3A_386, %broadcast_in_dim3A_389, %select_n3A_379 : vector<2048x128xi1>, vector<2048x128xf32>
    %slice3A_391 = vector.extract_strided_slice %dot_general3A_384 {offsets = [0, 128], sizes = [2048, 128], strides = [1, 1]} : vector<2048x1024xf32> to vector<2048x128xf32>
    %lt3A_392 = arith.cmpf olt, %slice3A_391, %select_n3A_387 : vector<2048x128xf32>
    %select_n3A_393 = arith.select %lt3A_392, %slice3A_391, %select_n3A_387 : vector<2048x128xi1>, vector<2048x128xf32>
    %jit3A_394 = arith.constant 7.296000e+03 : f32
    %broadcast_in_dim3A_395 = vector.broadcast %jit3A_394 : f32 to vector<2048x128xf32>
    %select_n3A_396 = arith.select %lt3A_392, %broadcast_in_dim3A_395, %select_n3A_390 : vector<2048x128xi1>, vector<2048x128xf32>
    %slice3A_397 = vector.extract_strided_slice %dot_general3A_384 {offsets = [0, 256], sizes = [2048, 128], strides = [1, 1]} : vector<2048x1024xf32> to vector<2048x128xf32>
    %lt3A_398 = arith.cmpf olt, %slice3A_397, %select_n3A_393 : vector<2048x128xf32>
    %select_n3A_399 = arith.select %lt3A_398, %slice3A_397, %select_n3A_393 : vector<2048x128xi1>, vector<2048x128xf32>
    %jit3A_400 = arith.constant 7.424000e+03 : f32
    %broadcast_in_dim3A_401 = vector.broadcast %jit3A_400 : f32 to vector<2048x128xf32>
    %select_n3A_402 = arith.select %lt3A_398, %broadcast_in_dim3A_401, %select_n3A_396 : vector<2048x128xi1>, vector<2048x128xf32>
    %slice3A_403 = vector.extract_strided_slice %dot_general3A_384 {offsets = [0, 384], sizes = [2048, 128], strides = [1, 1]} : vector<2048x1024xf32> to vector<2048x128xf32>
    %lt3A_404 = arith.cmpf olt, %slice3A_403, %select_n3A_399 : vector<2048x128xf32>
    %select_n3A_405 = arith.select %lt3A_404, %slice3A_403, %select_n3A_399 : vector<2048x128xi1>, vector<2048x128xf32>
    %jit3A_406 = arith.constant 7.552000e+03 : f32
    %broadcast_in_dim3A_407 = vector.broadcast %jit3A_406 : f32 to vector<2048x128xf32>
    %select_n3A_408 = arith.select %lt3A_404, %broadcast_in_dim3A_407, %select_n3A_402 : vector<2048x128xi1>, vector<2048x128xf32>
    %slice3A_409 = vector.extract_strided_slice %dot_general3A_384 {offsets = [0, 512], sizes = [2048, 128], strides = [1, 1]} : vector<2048x1024xf32> to vector<2048x128xf32>
    %lt3A_410 = arith.cmpf olt, %slice3A_409, %select_n3A_405 : vector<2048x128xf32>
    %select_n3A_411 = arith.select %lt3A_410, %slice3A_409, %select_n3A_405 : vector<2048x128xi1>, vector<2048x128xf32>
    %jit3A_412 = arith.constant 7.680000e+03 : f32
    %broadcast_in_dim3A_413 = vector.broadcast %jit3A_412 : f32 to vector<2048x128xf32>
    %select_n3A_414 = arith.select %lt3A_410, %broadcast_in_dim3A_413, %select_n3A_408 : vector<2048x128xi1>, vector<2048x128xf32>
    %slice3A_415 = vector.extract_strided_slice %dot_general3A_384 {offsets = [0, 640], sizes = [2048, 128], strides = [1, 1]} : vector<2048x1024xf32> to vector<2048x128xf32>
    %lt3A_416 = arith.cmpf olt, %slice3A_415, %select_n3A_411 : vector<2048x128xf32>
    %select_n3A_417 = arith.select %lt3A_416, %slice3A_415, %select_n3A_411 : vector<2048x128xi1>, vector<2048x128xf32>
    %jit3A_418 = arith.constant 7.808000e+03 : f32
    %broadcast_in_dim3A_419 = vector.broadcast %jit3A_418 : f32 to vector<2048x128xf32>
    %select_n3A_420 = arith.select %lt3A_416, %broadcast_in_dim3A_419, %select_n3A_414 : vector<2048x128xi1>, vector<2048x128xf32>
    %slice3A_421 = vector.extract_strided_slice %dot_general3A_384 {offsets = [0, 768], sizes = [2048, 128], strides = [1, 1]} : vector<2048x1024xf32> to vector<2048x128xf32>
    %lt3A_422 = arith.cmpf olt, %slice3A_421, %select_n3A_417 : vector<2048x128xf32>
    %select_n3A_423 = arith.select %lt3A_422, %slice3A_421, %select_n3A_417 : vector<2048x128xi1>, vector<2048x128xf32>
    %jit3A_424 = arith.constant 7.936000e+03 : f32
    %broadcast_in_dim3A_425 = vector.broadcast %jit3A_424 : f32 to vector<2048x128xf32>
    %select_n3A_426 = arith.select %lt3A_422, %broadcast_in_dim3A_425, %select_n3A_420 : vector<2048x128xi1>, vector<2048x128xf32>
    %slice3A_427 = vector.extract_strided_slice %dot_general3A_384 {offsets = [0, 896], sizes = [2048, 128], strides = [1, 1]} : vector<2048x1024xf32> to vector<2048x128xf32>
    %lt3A_428 = arith.cmpf olt, %slice3A_427, %select_n3A_423 : vector<2048x128xf32>
    %select_n3A_429 = arith.select %lt3A_428, %slice3A_427, %select_n3A_423 : vector<2048x128xi1>, vector<2048x128xf32>
    %jit3A_430 = arith.constant 8.064000e+03 : f32
    %broadcast_in_dim3A_431 = vector.broadcast %jit3A_430 : f32 to vector<2048x128xf32>
    %select_n3A_432 = arith.select %lt3A_428, %broadcast_in_dim3A_431, %select_n3A_426 : vector<2048x128xi1>, vector<2048x128xf32>
    %reduce_min3A = arith.constant dense<0x7F800000> : vector<2048xf32>
    %reduce_min3A_433 = vector.multi_reduction <minimumf>, %select_n3A_429, %reduce_min3A [1] : vector<2048x128xf32> to vector<2048xf32>
    %broadcast_in_dim3A_434 = vector.shape_cast %reduce_min3A_433 : vector<2048xf32> to vector<2048x1xf32>
    %iota3A_435 = tpu.iota {dimensions = array<i32: 1>} : vector<2048x128xi32>
    %convert_element_type3A_436 = arith.sitofp %iota3A_435 : vector<2048x128xi32> to vector<2048x128xf32>
    %eq3A_437 = vector.broadcast %broadcast_in_dim3A_434 : vector<2048x1xf32> to vector<2048x128xf32>
    %eq3A_438 = arith.cmpf oeq, %select_n3A_429, %eq3A_437 : vector<2048x128xf32>
    %add3A = arith.addf %select_n3A_432, %convert_element_type3A_436 : vector<2048x128xf32>
    %jit3A_439 = arith.constant 8.192000e+03 : f32
    %broadcast_in_dim3A_440 = vector.broadcast %jit3A_439 : f32 to vector<2048x128xf32>
    %select_n3A_441 = arith.select %eq3A_438, %add3A, %broadcast_in_dim3A_440 : vector<2048x128xi1>, vector<2048x128xf32>
    %reduce_min3A_442 = arith.constant dense<0x7F800000> : vector<2048xf32>
    %reduce_min3A_443 = vector.multi_reduction <minimumf>, %select_n3A_441, %reduce_min3A_442 [1] : vector<2048x128xf32> to vector<2048xf32>
    %convert_element_type3A_444 = arith.fptosi %reduce_min3A_443 : vector<2048xf32> to vector<2048xi32>
    %reshape3A = vector.shape_cast %convert_element_type3A_444 : vector<2048xi32> to vector<16x128xi32>
    %swap3A_445 = arith.constant 0 : index
    %swap3A_446 = arith.constant 0 : index
    %swap3A_447 = arith.constant 0 : index
    %swap3A_448 = vector.load %arg4[%swap3A_445, %swap3A_446, %swap3A_447] : memref<1x16x128xi32, #tpu.memory_space<vmem>>, vector<1x16x128xi32>
    %swap3A_449 = vector.shape_cast %swap3A_448 : vector<1x16x128xi32> to vector<16x128xi32>
    %swap3A_450 = vector.shape_cast %reshape3A : vector<16x128xi32> to vector<1x16x128xi32>
    tpu.vector_store %arg4[%swap3A_445, %swap3A_446, %swap3A_447], %swap3A_450 {strides = array<i32>} : memref<1x16x128xi32, #tpu.memory_space<vmem>>, vector<1x16x128xi32>,
    return
  }
  func.func @transform_0(%arg0: i32) -> (i32, i32) {
    %c0_i32 = arith.constant 0 : i32
    %c0_i32_0 = arith.constant 0 : i32
    return %arg0, %c0_i32 : i32, i32
  }
  func.func @transform_1(%arg0: i32) -> (i32, i32) {
    %c0_i32 = arith.constant 0 : i32
    %c0_i32_0 = arith.constant 0 : i32
    %c0_i32_1 = arith.constant 0 : i32
    return %c0_i32, %c0_i32_0 : i32, i32
  }
  func.func @transform_2(%arg0: i32) -> (i32, i32) {
    %c0_i32 = arith.constant 0 : i32
    %c0_i32_0 = arith.constant 0 : i32
    return %arg0, %c0_i32 : i32, i32
  }
  func.func @transform_3(%arg0: i32) -> (i32, i32, i32) {
    %c0_i32 = arith.constant 0 : i32
    %c0_i32_0 = arith.constant 0 : i32
    %c0_i32_1 = arith.constant 0 : i32
    return %arg0, %c0_i32, %c0_i32_0 : i32, i32, i32
  }
}

</mosaic_0001>

<sc_bundles>
// kernel: kernel.4.cloned.1.call-start
scs
__scs_entry_jumppad:
0x0: {  	(pc) =	sbr.rel $0x88, $3  }
0x1: {  	(tag) =	ssettag $0x0;
	lr =	simm.s32 $0x1  }
0x2: {  	[smem:$0x3F9F] =	sst lr;
	_ =	strace $0xD0000000  }
0x3: {  	_ = 	snop  }
0x4: {  	_ = 	snop  }
0x5: {  	_ = 	snop  }
0x6: {  	_ = 	snop  }
0x7: {  	_ = 	snop  }
__scs_overlays_trampoline_lowered:
0x8: {  	[smem:$0x3FAE] =	sst s0  }
0x9: {  	[smem:$0x3FAF] =	sst s1  }
0xa: {  	[smem:$0x3FB0] =	sst s2  }
0xb: {  	[smem:$0x3FB1] =	sst s3  }
0xc: {  	[smem:$0x3FB2] =	sst s4  }
0xd: {  	[smem:$0x3FB3] =	sst s5  }
0xe: {  	[smem:$0x3FB4] =	sst s6  }
0xf: {  	[smem:$0x3FB5] =	sst s7  }
0x10: {  	[smem:$0x3FB6] =	sst s8  }
0x11: {  	[smem:$0x3FB7] =	sst s9;
	s0 =	simm.s32 @!p0 $0x0  }
0x12: {  	s1 =	sld [smem:$0x3F9D];
	s0 =	simm.s32 @p0 $0x1  }
0x13: {  	[smem:$0x3FB8] =	sst s0;
	s0 =	simm.s32 @!p1 $0x0  }
0x14: {  	s2 =	sld [smem:$0x3F9C];
	s0 =	simm.s32 @p1 $0x1  }
0x15: {  	[smem:$0x3FB9] =	sst s0;
	s0 =	simm.s32 @!p2 $0x0  }
0x16: {  	s3 =	sld [smem:$0x3FDB];
	s0 =	simm.s32 @p2 $0x1  }
0x17: {  	s4 =	simm.s32 $0x1BF5;
	[smem:$0x3FBB] =	sst s0  }
0x18: {  	s0 =	sld [smem:$0x3F9E];
	_ =	swait.ge [sflag:s4], $0x0  }
0x19: {  	s7 =	sld [smem:$0x3F9F]  }
0x1a: {  	s8 =	sadd.s32 $0xFFFFE003, lr  }
0x1b: {  	s9 =	sadd.s32 $0xFFFFFEF7, lr;
	s5 =	simm.s32 $0xFFFFFFFF;
	p2 =	slt.u32 s8, $0xFFFFF086  }
0x1c: {  	p1 =	slt.u32 s9, $0xF7A;
	s5 =	simm.s32 @!p2 $0x0  }
0x1d: {  	s5 =	simm.s32 @p1 $0x1;
	p0 =	seq.s32 s7, s2  }
0x1e: {  	s7 =	smul.u32 @!p0 $0xF7A, s2;
	p2 =	seq.s32 @!p0 s5, $0x0  }
0x1f: {  	s9 =	smul.u32 $0xF7A, s1;
	s8 =	simm.s32 @!p0 $0x1BF5;
	p2 =	por !p2, p0  }
0x20: {  	[sflag:s8] =	ssyncset.s32 @!p0 $0xFFFFF086;
	s6 =	sadd.s32 @!p0 s3, s7;
	s7 =	simm.s32 @!p0 $0x108  }
0x21: {  	s3 =	sadd.s32 s3, s9;
	s6 =	sadd.s32 @!p0 $0x88, s6;
	s7 =	simm.s32 @p2 $0x1082  }
0x22: {  	[simem:s7], [sflag:s8] =	dma.local @!p0 [hbm:s6], $0xF7A  }
0x23: {  	s9 =	sor.u32 $0xD0000000, s2;
	s6 =	simm.s32 $0x108;
	_ =	swait.ge @!p0 [sflag:s8], $0x0  }
0x24: {  	s3 =	sadd.s32 $0x88, s3;
	s6 =	simm.s32 @!p1 $0x1082;
	[sflag:s4] =	ssyncset.s32 $0xFFFFF086  }
0x25: {  	[simem:s6], [sflag:s4] =	dma.local [hbm:s3], $0xF7A  }
0x26: {  	[smem:$0x3F9F] =	sst s1;
	(tag) =	ssettag s2;
	_ =	strace s9  }
0x27: {  	s1 =	sld [smem:$0x3FAF]  }
0x28: {  	s2 =	sld [smem:$0x3FB0]  }
0x29: {  	s4 =	sld [smem:$0x3FB2]  }
0x2a: {  	p0 =	seq.s32 s5, $0x0;
	s5 =	sld [smem:$0x3FB3]  }
0x2b: {  	s6 =	sld [smem:$0x3FB4]  }
0x2c: {  	s7 =	sld [smem:$0x3FB5]  }
0x2d: {  	s3 =	simm.s32 $0x108;
	s8 =	sld [smem:$0x3FB6]  }
0x2e: {  	s3 =	simm.s32 @!p0 $0x1082;
	s9 =	sld [smem:$0x3FB7]  }
0x2f: {  	lr =	sadd.s32 s0, s3;
	s0 =	sld [smem:$0x3FAE]  }
0x30: {  	s3 =	sld [smem:$0x3FB1]  }
0x31: {  	[smem:$0x3FBA] =	sst s10  }
0x32: {  	s10 =	sld [smem:$0x3FB8];
	_ =	sdelay $0x3  }
0x33: {  	p0 =	seq.s32 s10, $0x1;
	s10 =	sld [smem:$0x3FBA];
	_ =	sdelay $0x3  }
0x34: {  	[smem:$0x3FBA] =	sst s10  }
0x35: {  	s10 =	sld [smem:$0x3FB9];
	_ =	sdelay $0x3  }
0x36: {  	p1 =	seq.s32 s10, $0x1;
	s10 =	sld [smem:$0x3FBA];
	_ =	sdelay $0x3  }
0x37: {  	[smem:$0x3FBA] =	sst s10  }
0x38: {  	s10 =	sld [smem:$0x3FBB]  }
0x39: {  	_ = 	snop;
	(pc) =	sbr.ind lr, $3  }
0x3a: {  	_ = 	snop  }
0x3b: {  	_ = 	snop  }
0x3c: {  	p2 =	seq.s32 s10, $0x1;
	s10 =	sld [smem:$0x3FBA]  }
0x3d: {  	_ =	shalt  }
0x3e: {  	_ =	shalt  }
0x3f: {  	_ =	shalt  }
0x40: {  	_ =	shalt  }
0x41: {  	_ =	shalt  }
0x42: {  	_ =	shalt  }
0x43: {  	_ =	shalt  }
0x44: {  	_ =	shalt  }
0x45: {  	_ =	shalt  }
0x46: {  	_ =	shalt  }
0x47: {  	_ =	shalt  }
0x48: {  	_ =	shalt  }
0x49: {  	_ =	shalt  }
0x4a: {  	_ =	shalt  }
0x4b: {  	_ =	shalt  }
0x4c: {  	_ =	shalt  }
0x4d: {  	_ =	shalt  }
0x4e: {  	_ =	shalt  }
0x4f: {  	_ =	shalt  }
0x50: {  	_ =	shalt  }
0x51: {  	_ =	shalt  }
0x52: {  	_ =	shalt  }
0x53: {  	_ =	shalt  }
0x54: {  	_ =	shalt  }
0x55: {  	_ =	shalt  }
0x56: {  	_ =	shalt  }
0x57: {  	_ =	shalt  }
0x58: {  	_ =	shalt  }
0x59: {  	_ =	shalt  }
0x5a: {  	_ =	shalt  }
0x5b: {  	_ =	shalt  }
0x5c: {  	_ =	shalt  }
0x5d: {  	_ =	shalt  }
0x5e: {  	_ =	shalt  }
0x5f: {  	_ =	shalt  }
0x60: {  	_ =	shalt  }
0x61: {  	_ =	shalt  }
0x62: {  	_ =	shalt  }
0x63: {  	_ =	shalt  }
0x64: {  	_ =	shalt  }
0x65: {  	_ =	shalt  }
0x66: {  	_ =	shalt  }
0x67: {  	_ =	shalt  }
0x68: {  	_ =	shalt  }
0x69: {  	_ =	shalt  }
0x6a: {  	_ =	shalt  }
0x6b: {  	_ =	shalt  }
0x6c: {  	_ =	shalt  }
0x6d: {  	_ =	shalt  }
0x6e: {  	_ =	shalt  }
0x6f: {  	_ =	shalt  }
0x70: {  	_ =	shalt  }
0x71: {  	_ =	shalt  }
0x72: {  	_ =	shalt  }
0x73: {  	_ =	shalt  }
0x74: {  	_ =	shalt  }
0x75: {  	_ =	shalt  }
0x76: {  	_ =	shalt  }
0x77: {  	_ =	shalt  }
0x78: {  	_ =	shalt  }
0x79: {  	_ =	shalt  }
0x7a: {  	_ =	shalt  }
0x7b: {  	_ =	shalt  }
0x7c: {  	_ =	shalt  }
0x7d: {  	_ =	shalt  }
0x7e: {  	_ =	shalt  }
0x7f: {  	_ =	shalt  }
0x80: {  	_ =	shalt  }
0x81: {  	_ =	shalt  }
0x82: {  	_ =	shalt  }
0x83: {  	_ =	shalt  }
0x84: {  	_ =	shalt  }
0x85: {  	_ =	shalt  }
0x86: {  	_ =	shalt  }
0x87: {  	_ =	shalt  }
.Lfunc_end0:
.L_simem_size_0:
called_computation_lowered:
.L_overlay_start_0:
0x88: {  	s2 =	sld [smem:$0x3FD9]  }
0x89: {  	s3 =	sld [smem:$0x3FFE];
	_ =	sdelay $0x1  }
0x8a: {  	s1 =	srdreg.scid  }
0x8b: {  	s0 =	sand.u32 $0x1, s1  }
0x8c: {  	s17 =	sshll.u32 s0, $0xA;
	s2 =	sadd.s32 s3, s2  }
0x8d: {  	s2 =	sadd.s32 s2, s17  }
0x8e: {  	[smem:$0x3FC6] =	sst s2  }
0x8f: {  	_ = 	snop  }
0x90: {  	s2 =	sld [smem:$0x3FD0];
	(tm) =	ssettm $0x1  }
0x91: {  	s18 =	sld [smem:$0x3FFB];
	_ =	sdelay $0x3  }
0x92: {  	_ =	strace s18  }
0x93: {  	s3 =	sld [smem:$0x3FFC];
	_ =	sdelay $0x3  }
0x94: {  	_ =	strace s3  }
0x95: {  	s3 =	sld [smem:$0x3FFD];
	_ =	sdelay $0x3  }
0x96: {  	_ =	strace s3  }
0x97: {  	_ =	strace $0x8FFFFFFF  }
0x98: {  	s19 =	sld [smem:$0x3FDB];
	_ =	sdelay $0x1  }
0x99: {  	s4 =	simm.s32 $_scs_section_size  }
0x9a: {  	s5 =	simm.s32 $_size__tile_overlayer_lowered;
	s6 =	simm.s32 $_tile_overlayer_lowered  }
0x9b: {  	s22 =	simm.s32 $0x1BFF;
	s21 =	sshll.u32 s6, $0x1;
	s3 =	sadd.s32 s4, s19  }
0x9c: {  	s7 =	simm.s32 $0x0;
	s20 =	sshll.u32 s5, $0x1;
	s5 =	sadd.s32 s21, s3  }
0x9d: {  	[timem:s7], [sflag:s22] =	dma.local [hbm:s5], s20  }
0x9e: {  	_ =	swait.ge [sflag:s22], s20  }
0x9f: {  	s4 =	ssub.s32 $0x0, s20;
	[sflag:s22] =	ssyncset.done $0x0  }
0xa0: {  	[sflag:s22] =	ssyncadd.s32 s4;
	_ =	sdelay $0x1  }
0xa1: {  	s23 =	simm.s32 $0x1B8B  }
0xa2: {  	_ =	swait.ge [sflag:s23], $0x1  }
0xa3: {  	[sflag:s23] =	ssyncset.done $0x0  }
0xa4: {  	s25 =	simm.s32 $0x1B8E;
	s24 =	sld [smem:$0x3FFE];
	[sflag:s23] =	ssyncadd.s32 $0xFFFFFFFF  }
0xa5: {  	s26 =	simm.s32 $execute0_lowered;
	[smem:$0x3FD2] =	sst s25  }
0xa6: {  	s5 =	sshll.u32 s26, $0x1;
	_ =	strace $0x80000046;
	[dreg:$0x1] =	wrdreg $0xFFFFFFFF  }
0xa7: {  	s28 =	simm.s32 $_size_execute0_lowered;
	s3 =	sadd.s32 s3, s5;
	[dreg:$0x0] =	wrdreg $0x0  }
0xa8: {  	s5 =	sshll.u32 s28, $0x1;
	[dreg:$0x2] =	wrdreg s3  }
0xa9: {  	[dreg:$0x3] =	wrdreg s5  }
0xaa: {  	[dreg:$0x4] =	wrdreg $0xC0  }
0xab: {  	_ =	task [dreg:s7], $0x5FFFF  }
0xac: {  	[dreg:$0x1] =	wrdreg $0xFFFFFFFF  }
0xad: {  	[dreg:$0x0] =	wrdreg $0x60  }
0xae: {  	[dreg:$0x2] =	wrdreg s24  }
0xaf: {  	[dreg:$0x3] =	wrdreg s2  }
0xb0: {  	[dreg:$0x4] =	wrdreg $0x9  }
0xb1: {  	_ =	task.clear_ibuf [dreg:s7], $0x5FFFF;
	_ =	strace $0x90000046  }
0xb2: {  	s29 =	simm.s32 $0x9;
	_ =	strace $0x80000048  }
0xb3: {  	_ =	swait.ge [sflag:s29], $0x1  }
0xb4: {  	[sflag:s29] =	ssyncadd.s32 $0xFFFFFFFF  }
0xb5: {  	_ =	strace $0x90000048  }
0xb6: {  	_ =	sfence  }
0xb7: {  	s30 =	sld [smem:$0x0];
	_ =	sdelay $0x2  }
0xb8: {  	s31 =	sshll.u32 s1, $0xD;
	s1 =	sshrl.u32 s1, $0x2  }
0xb9: {  	s3 =	sand.u32 $0x4000, s31;
	s1 =	sadd.s32 s1, s30  }
0xba: {  	s0 =	sor.u32 s3, s0;
	s1 =	sshll.u32 s1, $0x11  }
0xbb: {  	s0 =	sor.u32 s1, s0  }
0xbc: {  	s0 =	sadd.s32 $0x8F2B, s0  }
0xbd: {  	[sflag:s0] =	ssyncadd.remote.s32 $0x1  }
0xbe: {  	_ =	sfence.sel $0xFFFF  }
0xbf: {  	[dreg:$0x0] =	wrdreg $0xFFFFFFFF;
	(pc) =	sbr.abs _section_cstart, $3  }
0xc0: {  	[dreg:$0x1] =	wrdreg $0xFFFFFFFF  }
0xc1: {  	_ =	task.clear_ibuf [dreg:s7], $0x2FFFF;
	_ =	strace $0x9FFFFFFF  }
0xc2: {  	(tm) =	ssettm $0x7FFFFFFF  }
0xc3: {  	_ =	shalt  }
tec
execute0_lowered:
.L_overlay_start_1:
0x0: {  	(tag) =	ssettag $0x1  }
0x1: {  	s1 =	srdreg.scid  }
0x2: {  	s0 =	stileid.u32;
	s6 =	sand.u32 $0x1, s1  }
0x3: {  	s5 =	rddreg [dreg:$0x0];
	s30 =	sshll.u32 s0, $0xA;
	s2 =	sshll.u32 s6, $0x9  }
0x4: {  	s8 =	rddreg [dreg:$0x1];
	s9 =	sor.u32 s2, s30  }
0x5: {  	s1 =	rddreg [dreg:$0x2];
	s2 =	simm.s32 $0x0;
	s3 =	sshrl.u32 s9, $0x3  }
0x6: {  	s10 =	ssub.s32 $0x2, s6;
	[smem:$0x7FF] =	sst s2;
	s3 =	sadd.s32 s3, s5  }
0x7: {  	_ =	strace $0x80000047;
	s4 =	sadd.s32 $0xA00, s3;
	s3 =	simm.s32 $0x2  }
0x8: {  	[tilespmem:s2], [sflag:$0x2] =	stream.linear.gather [hbm4b:s4+s2], $0x200, $0x38;
	[tilespmem:$0x4200] =	vst v63  }
0x9: {  	s7 =	simm.s32 $0x1;
	s11 =	sshrl.u32 s10, $0x1;
	_ =	swait.ge [sflag:s3], $0x200  }
0xa: {  	s6 =	simm.s32 $0x200;
	s10 =	ssub.s32 s10, s11;
	[sflag:s3] =	ssyncset.done $0x0  }
0xb: {  	s5 =	sadd.s32 $0x1200, s5;
	s31 =	smax.u32 s10, $0x1;
	[sflag:s3] =	ssyncadd.s32 $0xFFFFFE00  }
0xc: {  	[tilespmem:s6], [sflag:$0x1] =	stream.indirect.gather [hbm4b:s5+s6], $0x20, s2, s6, $0xb8;
	[tilespmem:$0x4200] =	vst v63  }
0xd: {  	p0 =	sne.s32 s31, $0x1;
	_ =	swait.ge [sflag:s7], $0x4000  }
.Ltmp0:
0xe: {  	s9 =	sshll.u32 s9, $0x2;
	[sflag:s7] =	ssyncset.done $0x0;
	(pc) =	sbr.rel @!p0 .LBB2_2-.Ltmp0, $4  }
0xf: {  	s8 =	sadd.s32 s8, s9;
	[sflag:s7] =	ssyncadd.s32 $0xFFFFC000  }
0x10: {  	[hbm4b:s8+s2] =	stream.linear.scatter [tilespmem:s6], [sflag:$0x2], $0x4000, $0x38;
	[tilespmem:$0x4200] =	vst v63  }
0x11: {  	_ =	swait.ge [sflag:s3], $0x4000  }
0x12: {  	s9 =	sadd.s32 $0xFFFFFFFF, s31;
	[sflag:s3] =	ssyncset.done $0x0  }
.LBB2_1:
0x13: {  	p0 =	sne.s32 s9, $0x1;
	s9 =	sadd.s32 $0xFFFFFFFF, s9;
	[sflag:s3] =	ssyncadd.s32 $0xFFFFC000  }
0x14: {  	[tilespmem:s2], [sflag:$0x2] =	stream.linear.gather [hbm4b:s4+s2], $0x200, $0x38;
	[tilespmem:$0x4200] =	vst v63  }
0x15: {  	_ =	swait.ge [sflag:s3], $0x200  }
0x16: {  	[sflag:s3] =	ssyncset.done $0x0  }
0x17: {  	[sflag:s3] =	ssyncadd.s32 $0xFFFFFE00  }
0x18: {  	[tilespmem:s6], [sflag:$0x1] =	stream.indirect.gather [hbm4b:s5+s6], $0x20, s2, s6, $0xb8;
	[tilespmem:$0x4200] =	vst v63  }
0x19: {  	_ =	swait.ge [sflag:s7], $0x4000  }
.Ltmp1:
0x1a: {  	[sflag:s7] =	ssyncset.done $0x0;
	(pc) =	sbr.rel @p0 .LBB2_1-.Ltmp1, $4  }
0x1b: {  	[sflag:s7] =	ssyncadd.s32 $0xFFFFC000  }
0x1c: {  	[hbm4b:s8+s2] =	stream.linear.scatter [tilespmem:s6], [sflag:$0x2], $0x4000, $0x38;
	[tilespmem:$0x4200] =	vst v63  }
0x1d: {  	_ =	swait.ge [sflag:s3], $0x4000  }
0x1e: {  	[sflag:s3] =	ssyncset.done $0x0  }
.LBB2_2:
0x1f: {  	[sflag:s3] =	ssyncadd.s32 $0xFFFFC000  }
0x20: {  	_ =	sfence.sel $0x180000  }
0x21: {  	[bflag:$0x0] =	sbarrier.arrive $0xFFFF  }
0x22: {  	p0 =	sne.s32 s0, $0x0;
	_ =	strace $0x90000047  }
0x23: {  	s0 =	sadd.s32 @!p0 $0x100000, s1;
	[bflag:$0x2] =	sbarrier.arrive $0xFFFF  }
0x24: {  	[sflag:s0] =	ssyncadd.tile.s32 @!p0 $0x1;
	_ =	shalt  }
.Lfunc_end2:
_tile_overlayer_lowered:
.L_overlay_start_2:
0x25: {  	(tag) =	ssettag $0x2  }
0x26: {  	s0 =	rddreg [dreg:$0x0];
	s2 =	stileid.u32  }
0x27: {  	s1 =	rddreg [dreg:$0x1];
	p0 =	sne.s32 s2, $0x0  }
0x28: {  	s3 =	rddreg [dreg:$0x2];
	[bflag:$0x3] =	sbarrier.arrive $0xFFFF;
	s2 =	simm.s32 @!p0 $0x1C02  }
0x29: {  	[timem:s3], [sflag:s2] =	dma.local @!p0 [hbm:s0], s1  }
0x2a: {  	s0 =	simm.s32 @!p0 $0x2  }
0x2b: {  	_ =	swait.ge @!p0 [sflag:s0], s1  }
0x2c: {  	s1 =	ssub.s32 @!p0 $0x0, s1;
	[sflag:s0] =	ssyncset.done @!p0 $0x0  }
0x2d: {  	[sflag:s0] =	ssyncadd.s32 @!p0 s1  }
0x2e: {  	[bflag:$0x3] =	sbarrier.arrive $0xFFFF  }
0x2f: {  	_ =	shalt  }

</sc_bundles>
